<compile_context>
chip_gen: v7x
topology: tpu7x:2x2x1
jax: 0.10.2.dev20260603
libtpu: 0.0.44.dev20260713+nightly
codegen_flags: <defaults>
</compile_context>

<pallas_src>
import jax
import jax.numpy as jnp
from jax import lax
from jax.experimental import pallas as pl
from jax.experimental.pallas import tpu as pltpu
from jax.experimental.pallas import tpu_sc as plsc

EPS = 1e-7
N = 589824
TILES = N // 128
SC_TILES = 2560
TC_TILES = TILES - SC_TILES
N_SC = SC_TILES * 128

NC, NS, L = 2, 16, 16
NW = NC * NS
NA = N_SC // NW
NCHUNK = 8
NSLOT = 4
CH = NA // NCHUNK
CH4 = 4 * CH
GROUPS = CH // L



def _reg_body(od_hbm, td_hbm, os_hbm, out_hbm, od_v, td_v, os_v, acc_v,
              sem, os_sem):
    wid = lax.axis_index("c") * NS + lax.axis_index("s")

    def chunk_copies(g, slot):
        base = pl.multiple_of(wid * NA + g * CH, 8)
        base4 = pl.multiple_of(base * 4, 8)
        soff4 = pl.multiple_of(slot * CH4, 8)
        return (
            pltpu.make_async_copy(od_hbm.at[pl.ds(base4, CH4)],
                                  od_v.at[pl.ds(soff4, CH4)], sem.at[slot]),
            pltpu.make_async_copy(td_hbm.at[pl.ds(base4, CH4)],
                                  td_v.at[pl.ds(soff4, CH4)], sem.at[slot]),
        )

    os_copy = pltpu.make_async_copy(
        os_hbm.at[pl.ds(pl.multiple_of(wid * NA, 8), NA)], os_v, os_sem)
    for g0 in range(NSLOT - 1):
        for c in chunk_copies(g0, g0):
            c.start()
        if g0 == 0:
            os_copy.start()

    zero = jnp.zeros((L,), jnp.float32)

    def chunk(g, carry):
        slot = lax.rem(g, NSLOT)

        @pl.when(g + NSLOT - 1 < NCHUNK)
        def _():
            for c in chunk_copies(g + NSLOT - 1,
                                  lax.rem(g + NSLOT - 1, NSLOT)):
                c.start()

        @pl.when(g == 0)
        def _():
            os_copy.wait()

        for c in chunk_copies(g, slot):
            c.wait()

        ob = g * CH
        sb4 = slot * CH4

        @plsc.parallel_loop(0, GROUPS, unroll=2, carry=carry)
        def group(g2, carry2):
            a, p, m = carry2
            osg = os_v[pl.ds(ob + g2 * L, L)]
            w = jnp.where(osg > 0.0, 1.0, 0.0)
            p = p + w
            m = m + jnp.where(osg != -1.0, 1.0, 0.0)
            off = sb4 + 512 * (g2 >> 3) + 16 * (g2 & 7)
            for c in range(4):
                d = jnp.abs(od_v[pl.ds(off + c * 128, L)]
                            - td_v[pl.ds(off + c * 128, L)])
                mn = jnp.minimum(d, 1.0)
                a = a + (0.5 * mn * mn + (d - mn)) * w
            return a, p, m

        return group

    acc_a, acc_p, acc_m = lax.fori_loop(0, NCHUNK, chunk, (zero, zero, zero))

    acc_v[0, :] = acc_a
    acc_v[1, :] = acc_p
    acc_v[2, :] = acc_m
    pltpu.sync_copy(acc_v, out_hbm.at[wid])


_reg_call = pl.kernel(
    _reg_body,
    out_type=jax.ShapeDtypeStruct((NW, 3, L), jnp.float32),
    mesh=plsc.VectorSubcoreMesh(core_axis_name="c", subcore_axis_name="s"),
    compiler_params=pltpu.CompilerParams(needs_layout_passes=False),
    scratch_types=[
        pltpu.VMEM((NSLOT * CH4,), jnp.float32),
        pltpu.VMEM((NSLOT * CH4,), jnp.float32),
        pltpu.VMEM((NA,), jnp.float32),
        pltpu.VMEM((3, L), jnp.float32),
        pltpu.SemaphoreType.DMA((NSLOT,)),
        pltpu.SemaphoreType.DMA,
    ],
)


ROWS = TILES
TC_GRID = 8
TC_BLK = ROWS // TC_GRID
TD_BLK = TC_TILES // TC_GRID


def _cls_body(ts_ref, os_ref, od_ref, td_ref, osr_ref,
              bce_ref, cnt_ref, a_ref, p_ref, m_ref):
    i = pl.program_id(0)
    ts = ts_ref[...]
    o = jnp.clip(os_ref[...], EPS, 1.0 - EPS)
    mask = ts != -1.0
    q = jnp.where(mask, jnp.where(ts > 0.5, o, 1.0 - o), 1.0)
    h = TC_BLK // 4
    q4 = (q[0 * h:1 * h] * q[1 * h:2 * h]) * (q[2 * h:3 * h] * q[3 * h:4 * h])
    bsum = -jnp.sum(jnp.log(q4))
    csum = jnp.sum(mask.astype(jnp.float32))

    osr = osr_ref[...]
    w = jnp.where(osr > 0.0, 1.0, 0.0)
    mr = jnp.where(osr != -1.0, 1.0, 0.0)
    d = jnp.abs(od_ref[...] - td_ref[...])
    mn = jnp.minimum(d, 1.0)
    l1 = 0.5 * mn * mn + (d - mn)
    l1s = jnp.sum(l1.reshape(TD_BLK, 4, 128), axis=1)
    asum = jnp.sum(l1s * w)
    psum = jnp.sum(w)
    msum = jnp.sum(mr)

    @pl.when(i == 0)
    def _():
        bce_ref[0, 0] = 0.0
        cnt_ref[0, 0] = 0.0
        a_ref[0, 0] = 0.0
        p_ref[0, 0] = 0.0
        m_ref[0, 0] = 0.0

    bce_ref[0, 0] += bsum
    cnt_ref[0, 0] += csum
    a_ref[0, 0] += asum
    p_ref[0, 0] += psum
    m_ref[0, 0] += msum


_scalar_out = pl.BlockSpec((1, 1), lambda i: (0, 0), memory_space=pltpu.SMEM)
_cls_call = pl.pallas_call(
    _cls_body,
    grid=(TC_GRID,),
    in_specs=[
        pl.BlockSpec((TC_BLK, 128), lambda i: (i, 0)),
        pl.BlockSpec((TC_BLK, 128), lambda i: (i, 0)),
        pl.BlockSpec((4 * TD_BLK, 128), lambda i: (SC_TILES // TD_BLK + i, 0)),
        pl.BlockSpec((4 * TD_BLK, 128), lambda i: (SC_TILES // TD_BLK + i, 0)),
        pl.BlockSpec((TD_BLK, 128), lambda i: (SC_TILES // TD_BLK + i, 0)),
    ],
    out_specs=[_scalar_out] * 5,
    out_shape=[jax.ShapeDtypeStruct((1, 1), jnp.float32)] * 5,
)


def _planar(x):
    return x.reshape(TILES, 128, 4).transpose(0, 2, 1).reshape(4 * TILES, 128)


def kernel(target_deltas, target_scores, output_deltas, output_scores):
    od2 = _planar(output_deltas)
    td2 = _planar(target_deltas)
    osf = output_scores.reshape(-1)
    ts2 = target_scores.reshape(ROWS, 128)
    os2 = output_scores.reshape(ROWS, 128)

    parts = _reg_call(od2.reshape(-1), td2.reshape(-1), osf)
    bce_sum, cnt_sum, a_tc, p_tc, m_tc = _cls_call(ts2, os2, od2, td2, os2)

    sums = jnp.sum(parts, axis=(0, 2))
    a = sums[0] + a_tc[0, 0]
    psum = sums[1] + p_tc[0, 0]
    msum = sums[2] + m_tc[0, 0]
    cls_loss = bce_sum[0, 0] / jnp.maximum(cnt_sum[0, 0], 1.0)
    reg_loss = 10.0 * a / (psum + EPS * msum)
    return cls_loss + reg_loss

# --- scband reference (transcript-rebuilt; emitter-appended) ---
"""Pipeline reference for scband-rpn-87917980549799 (READ-ONLY COPY).

The authoritative reference and input builder live on the scoring server;
editing this copy changes nothing except your own understanding.
"""

import jax, jax.numpy as jnp
import numpy as np

EPS = 1e-7

def smooth_l1_anchored(output, target):
    d = jnp.abs(output - target)
    loss = jnp.where(d < 1.0, 0.5 * d * d, d - 0.5)
    return jnp.sum(loss, axis=-1)

def setup_inputs(seed: int = 0):
    key = jax.random.key(seed)
    k1, k2, k3, k4 = jax.random.split(key, 4)
    N = 589824
    target_deltas = jax.random.normal(k1, (1, N, 4), dtype=jnp.float32)
    target_scores = jax.random.randint(k2, (1, N), 0, 2).astype(jnp.float32)
    output_deltas = jax.random.normal(k3, (1, N, 4), dtype=jnp.float32)
    output_scores = jax.random.uniform(k4, (1, N), dtype=jnp.float32, minval=0.01, maxval=0.99)
    return {"target_deltas": target_deltas, "target_scores": target_scores,
            "output_deltas": output_deltas, "output_scores": output_scores}

def reference(target_deltas, target_scores, output_deltas, output_scores):
    # mirrors RPN.call: reshape predictions
    out_d = jnp.reshape(output_deltas, (1, -1, 4))
    out_s = jnp.reshape(output_scores, (1, -1))
    # classification loss: select anchors where target_scores != -1, mean BCE.
    # gather_nd(where(cond)) followed by mean == masked sum / count (same math).
    mask_c = (target_scores != -1.0).astype(jnp.float32)
    o = jnp.clip(out_s, EPS, 1.0 - EPS)
    bce = -(target_scores * jnp.log(o) + (1.0 - target_scores) * jnp.log(1.0 - o))
    cls_loss = jnp.sum(bce * mask_c) / jnp.maximum(jnp.sum(mask_c), 1.0)
    # regression loss: select anchors where output_scores != -1
    mask_r = (out_s != -1.0).astype(jnp.float32)
    p_star = jnp.where(out_s > 0.0, jnp.ones_like(out_s), jnp.zeros_like(out_s)) * mask_r
    a_y = smooth_l1_anchored(out_d, target_deltas)
    a = jnp.sum(p_star * a_y * mask_r)
    b = jnp.sum(p_star) + EPS * jnp.sum(mask_r)
    reg_loss = 10.0 * (a / b)
    return cls_loss + reg_loss

if __name__ == "__main__":
    import jax
    _d = setup_inputs()
    print(jax.jit(kernel)(*tuple(_d.values())))

</pallas_src>

<mosaic_0001>
#map = affine_map<(d0, d1) -> (0)>
#map1 = affine_map<(d0, d1) -> (0, 0, 0)>
module attributes {stable_mosaic.version = 14 : i64} {
  func.func @_reg_body(%arg0: i32, %arg1: i32, %arg2: memref<2359296xf32, #tpu.memory_space<hbm>>, %arg3: memref<2359296xf32, #tpu.memory_space<hbm>>, %arg4: memref<589824xf32, #tpu.memory_space<hbm>>, %arg5: memref<32x3x16xf32, #tpu.memory_space<hbm>>, %arg6: memref<20480xf32, #tpu.memory_space<vmem>>, %arg7: memref<20480xf32, #tpu.memory_space<vmem>>, %arg8: memref<10240xf32, #tpu.memory_space<vmem>>, %arg9: memref<3x16xf32, #tpu.memory_space<vmem>>, %arg10: memref<4x!tpu.dma_semaphore, #tpu.memory_space<semaphore_mem>>, %arg11: memref<!tpu.dma_semaphore, #tpu.memory_space<semaphore_mem>>) attributes {dimension_semantics = [#tpu.dimension_semantics<core_parallel>, #tpu.dimension_semantics<subcore_parallel>], iteration_bounds = array<i64: 2, 16>, scalar_prefetch = 0 : i64, scratch_operands = 6 : i64, tpu.core_type = #tpu.core_type<sc_vector_subcore>, window_params = [{transform_indices = #map}, {transform_indices = #map}, {transform_indices = #map}, {transform_indices = #map1}]} {
    %mul3A = arith.constant 16 : i32
    %mul3A_0 = arith.muli %arg0, %mul3A : i32
    %add3A = arith.addi %mul3A_0, %arg1 : i32
    %mul3A_1 = arith.constant 10240 : i32
    %mul3A_2 = arith.muli %add3A, %mul3A_1 : i32
    %multiple_of3A = tpu.assume_multiple %mul3A_2, 8 : i32
    %mul3A_3 = arith.constant 10240 : i32
    %mul3A_4 = arith.muli %add3A, %mul3A_3 : i32
    %add3A_5 = arith.constant 0 : i32
    %add3A_6 = arith.addi %mul3A_4, %add3A_5 : i32
    %multiple_of3A_7 = tpu.assume_multiple %add3A_6, 8 : i32
    %mul3A_8 = arith.constant 4 : i32
    %mul3A_9 = arith.muli %multiple_of3A_7, %mul3A_8 : i32
    %multiple_of3A_10 = tpu.assume_multiple %mul3A_9, 8 : i32
    %multiple_of3A_11 = arith.constant 0 : i32
    %multiple_of3A_12 = tpu.assume_multiple %multiple_of3A_11, 8 : i32
    %dma_start3A = arith.constant 0 : i32
    %dma_start3A_13 = tpu.memref_slice %arg6[%multiple_of3A_12] : memref<20480xf32, #tpu.memory_space<vmem>> -> memref<5120xf32, #tpu.memory_space<vmem>>
    %dma_start3A_14 = tpu.memref_slice %arg2[%multiple_of3A_10] : memref<2359296xf32, #tpu.memory_space<hbm>> -> memref<5120xf32, #tpu.memory_space<hbm>>
    %dma_start3A_15 = tpu.memref_slice %arg10[%dma_start3A] : memref<4x!tpu.dma_semaphore, #tpu.memory_space<semaphore_mem>> -> memref<1x!tpu.dma_semaphore, #tpu.memory_space<semaphore_mem>>
    %dma_start3A_16 = tpu.memref_squeeze %dma_start3A_15 : memref<1x!tpu.dma_semaphore, #tpu.memory_space<semaphore_mem>> -> memref<!tpu.dma_semaphore, #tpu.memory_space<semaphore_mem>>
    %dma_start3A_17 = tpu.memref_slice %arg6[%multiple_of3A_12] : memref<20480xf32, #tpu.memory_space<vmem>> -> memref<5120xf32, #tpu.memory_space<vmem>>
    %dma_start3A_18 = tpu.memref_slice %arg2[%multiple_of3A_10] : memref<2359296xf32, #tpu.memory_space<hbm>> -> memref<5120xf32, #tpu.memory_space<hbm>>
    tpu.enqueue_dma source(%dma_start3A_18 : memref<5120xf32, #tpu.memory_space<hbm>>) target(%dma_start3A_17 : memref<5120xf32, #tpu.memory_space<vmem>>) target_semaphore(%dma_start3A_16 : memref<!tpu.dma_semaphore, #tpu.memory_space<semaphore_mem>>)
    %dma_start3A_19 = arith.constant 0 : i32
    %dma_start3A_20 = tpu.memref_slice %arg7[%multiple_of3A_12] : memref<20480xf32, #tpu.memory_space<vmem>> -> memref<5120xf32, #tpu.memory_space<vmem>>
    %dma_start3A_21 = tpu.memref_slice %arg3[%multiple_of3A_10] : memref<2359296xf32, #tpu.memory_space<hbm>> -> memref<5120xf32, #tpu.memory_space<hbm>>
    %dma_start3A_22 = tpu.memref_slice %arg10[%dma_start3A_19] : memref<4x!tpu.dma_semaphore, #tpu.memory_space<semaphore_mem>> -> memref<1x!tpu.dma_semaphore, #tpu.memory_space<semaphore_mem>>
    %dma_start3A_23 = tpu.memref_squeeze %dma_start3A_22 : memref<1x!tpu.dma_semaphore, #tpu.memory_space<semaphore_mem>> -> memref<!tpu.dma_semaphore, #tpu.memory_space<semaphore_mem>>
    %dma_start3A_24 = tpu.memref_slice %arg7[%multiple_of3A_12] : memref<20480xf32, #tpu.memory_space<vmem>> -> memref<5120xf32, #tpu.memory_space<vmem>>
    %dma_start3A_25 = tpu.memref_slice %arg3[%multiple_of3A_10] : memref<2359296xf32, #tpu.memory_space<hbm>> -> memref<5120xf32, #tpu.memory_space<hbm>>
    tpu.enqueue_dma source(%dma_start3A_25 : memref<5120xf32, #tpu.memory_space<hbm>>) target(%dma_start3A_24 : memref<5120xf32, #tpu.memory_space<vmem>>) target_semaphore(%dma_start3A_23 : memref<!tpu.dma_semaphore, #tpu.memory_space<semaphore_mem>>)
    %dma_start3A_26 = tpu.memref_slice %arg4[%multiple_of3A] : memref<589824xf32, #tpu.memory_space<hbm>> -> memref<10240xf32, #tpu.memory_space<hbm>>
    %dma_start3A_27 = tpu.memref_slice %arg4[%multiple_of3A] : memref<589824xf32, #tpu.memory_space<hbm>> -> memref<10240xf32, #tpu.memory_space<hbm>>
    tpu.enqueue_dma source(%dma_start3A_27 : memref<10240xf32, #tpu.memory_space<hbm>>) target(%arg8 : memref<10240xf32, #tpu.memory_space<vmem>>) target_semaphore(%arg11 : memref<!tpu.dma_semaphore, #tpu.memory_space<semaphore_mem>>)
    %mul3A_28 = arith.constant 10240 : i32
    %mul3A_29 = arith.muli %add3A, %mul3A_28 : i32
    %add3A_30 = arith.constant 1280 : i32
    %add3A_31 = arith.addi %mul3A_29, %add3A_30 : i32
    %multiple_of3A_32 = tpu.assume_multiple %add3A_31, 8 : i32
    %mul3A_33 = arith.constant 4 : i32
    %mul3A_34 = arith.muli %multiple_of3A_32, %mul3A_33 : i32
    %multiple_of3A_35 = tpu.assume_multiple %mul3A_34, 8 : i32
    %multiple_of3A_36 = arith.constant 5120 : i32
    %multiple_of3A_37 = tpu.assume_multiple %multiple_of3A_36, 8 : i32
    %dma_start3A_38 = arith.constant 1 : i32
    %dma_start3A_39 = tpu.memref_slice %arg6[%multiple_of3A_37] : memref<20480xf32, #tpu.memory_space<vmem>> -> memref<5120xf32, #tpu.memory_space<vmem>>
    %dma_start3A_40 = tpu.memref_slice %arg2[%multiple_of3A_35] : memref<2359296xf32, #tpu.memory_space<hbm>> -> memref<5120xf32, #tpu.memory_space<hbm>>
    %dma_start3A_41 = tpu.memref_slice %arg10[%dma_start3A_38] : memref<4x!tpu.dma_semaphore, #tpu.memory_space<semaphore_mem>> -> memref<1x!tpu.dma_semaphore, #tpu.memory_space<semaphore_mem>>
    %dma_start3A_42 = tpu.memref_squeeze %dma_start3A_41 : memref<1x!tpu.dma_semaphore, #tpu.memory_space<semaphore_mem>> -> memref<!tpu.dma_semaphore, #tpu.memory_space<semaphore_mem>>
    %dma_start3A_43 = tpu.memref_slice %arg6[%multiple_of3A_37] : memref<20480xf32, #tpu.memory_space<vmem>> -> memref<5120xf32, #tpu.memory_space<vmem>>
    %dma_start3A_44 = tpu.memref_slice %arg2[%multiple_of3A_35] : memref<2359296xf32, #tpu.memory_space<hbm>> -> memref<5120xf32, #tpu.memory_space<hbm>>
    tpu.enqueue_dma source(%dma_start3A_44 : memref<5120xf32, #tpu.memory_space<hbm>>) target(%dma_start3A_43 : memref<5120xf32, #tpu.memory_space<vmem>>) target_semaphore(%dma_start3A_42 : memref<!tpu.dma_semaphore, #tpu.memory_space<semaphore_mem>>)
    %dma_start3A_45 = arith.constant 1 : i32
    %dma_start3A_46 = tpu.memref_slice %arg7[%multiple_of3A_37] : memref<20480xf32, #tpu.memory_space<vmem>> -> memref<5120xf32, #tpu.memory_space<vmem>>
    %dma_start3A_47 = tpu.memref_slice %arg3[%multiple_of3A_35] : memref<2359296xf32, #tpu.memory_space<hbm>> -> memref<5120xf32, #tpu.memory_space<hbm>>
    %dma_start3A_48 = tpu.memref_slice %arg10[%dma_start3A_45] : memref<4x!tpu.dma_semaphore, #tpu.memory_space<semaphore_mem>> -> memref<1x!tpu.dma_semaphore, #tpu.memory_space<semaphore_mem>>
    %dma_start3A_49 = tpu.memref_squeeze %dma_start3A_48 : memref<1x!tpu.dma_semaphore, #tpu.memory_space<semaphore_mem>> -> memref<!tpu.dma_semaphore, #tpu.memory_space<semaphore_mem>>
    %dma_start3A_50 = tpu.memref_slice %arg7[%multiple_of3A_37] : memref<20480xf32, #tpu.memory_space<vmem>> -> memref<5120xf32, #tpu.memory_space<vmem>>
    %dma_start3A_51 = tpu.memref_slice %arg3[%multiple_of3A_35] : memref<2359296xf32, #tpu.memory_space<hbm>> -> memref<5120xf32, #tpu.memory_space<hbm>>
    tpu.enqueue_dma source(%dma_start3A_51 : memref<5120xf32, #tpu.memory_space<hbm>>) target(%dma_start3A_50 : memref<5120xf32, #tpu.memory_space<vmem>>) target_semaphore(%dma_start3A_49 : memref<!tpu.dma_semaphore, #tpu.memory_space<semaphore_mem>>)
    %mul3A_52 = arith.constant 10240 : i32
    %mul3A_53 = arith.muli %add3A, %mul3A_52 : i32
    %add3A_54 = arith.constant 2560 : i32
    %add3A_55 = arith.addi %mul3A_53, %add3A_54 : i32
    %multiple_of3A_56 = tpu.assume_multiple %add3A_55, 8 : i32
    %mul3A_57 = arith.constant 4 : i32
    %mul3A_58 = arith.muli %multiple_of3A_56, %mul3A_57 : i32
    %multiple_of3A_59 = tpu.assume_multiple %mul3A_58, 8 : i32
    %multiple_of3A_60 = arith.constant 10240 : i32
    %multiple_of3A_61 = tpu.assume_multiple %multiple_of3A_60, 8 : i32
    %dma_start3A_62 = arith.constant 2 : i32
    %dma_start3A_63 = tpu.memref_slice %arg6[%multiple_of3A_61] : memref<20480xf32, #tpu.memory_space<vmem>> -> memref<5120xf32, #tpu.memory_space<vmem>>
    %dma_start3A_64 = tpu.memref_slice %arg2[%multiple_of3A_59] : memref<2359296xf32, #tpu.memory_space<hbm>> -> memref<5120xf32, #tpu.memory_space<hbm>>
    %dma_start3A_65 = tpu.memref_slice %arg10[%dma_start3A_62] : memref<4x!tpu.dma_semaphore, #tpu.memory_space<semaphore_mem>> -> memref<1x!tpu.dma_semaphore, #tpu.memory_space<semaphore_mem>>
    %dma_start3A_66 = tpu.memref_squeeze %dma_start3A_65 : memref<1x!tpu.dma_semaphore, #tpu.memory_space<semaphore_mem>> -> memref<!tpu.dma_semaphore, #tpu.memory_space<semaphore_mem>>
    %dma_start3A_67 = tpu.memref_slice %arg6[%multiple_of3A_61] : memref<20480xf32, #tpu.memory_space<vmem>> -> memref<5120xf32, #tpu.memory_space<vmem>>
    %dma_start3A_68 = tpu.memref_slice %arg2[%multiple_of3A_59] : memref<2359296xf32, #tpu.memory_space<hbm>> -> memref<5120xf32, #tpu.memory_space<hbm>>
    tpu.enqueue_dma source(%dma_start3A_68 : memref<5120xf32, #tpu.memory_space<hbm>>) target(%dma_start3A_67 : memref<5120xf32, #tpu.memory_space<vmem>>) target_semaphore(%dma_start3A_66 : memref<!tpu.dma_semaphore, #tpu.memory_space<semaphore_mem>>)
    %dma_start3A_69 = arith.constant 2 : i32
    %dma_start3A_70 = tpu.memref_slice %arg7[%multiple_of3A_61] : memref<20480xf32, #tpu.memory_space<vmem>> -> memref<5120xf32, #tpu.memory_space<vmem>>
    %dma_start3A_71 = tpu.memref_slice %arg3[%multiple_of3A_59] : memref<2359296xf32, #tpu.memory_space<hbm>> -> memref<5120xf32, #tpu.memory_space<hbm>>
    %dma_start3A_72 = tpu.memref_slice %arg10[%dma_start3A_69] : memref<4x!tpu.dma_semaphore, #tpu.memory_space<semaphore_mem>> -> memref<1x!tpu.dma_semaphore, #tpu.memory_space<semaphore_mem>>
    %dma_start3A_73 = tpu.memref_squeeze %dma_start3A_72 : memref<1x!tpu.dma_semaphore, #tpu.memory_space<semaphore_mem>> -> memref<!tpu.dma_semaphore, #tpu.memory_space<semaphore_mem>>
    %dma_start3A_74 = tpu.memref_slice %arg7[%multiple_of3A_61] : memref<20480xf32, #tpu.memory_space<vmem>> -> memref<5120xf32, #tpu.memory_space<vmem>>
    %dma_start3A_75 = tpu.memref_slice %arg3[%multiple_of3A_59] : memref<2359296xf32, #tpu.memory_space<hbm>> -> memref<5120xf32, #tpu.memory_space<hbm>>
    tpu.enqueue_dma source(%dma_start3A_75 : memref<5120xf32, #tpu.memory_space<hbm>>) target(%dma_start3A_74 : memref<5120xf32, #tpu.memory_space<vmem>>) target_semaphore(%dma_start3A_73 : memref<!tpu.dma_semaphore, #tpu.memory_space<semaphore_mem>>)
    %broadcast_in_dim3A = arith.constant 0.000000e+00 : f32
    %broadcast_in_dim3A_76 = vector.broadcast %broadcast_in_dim3A : f32 to vector<16xf32>
    %scan3A = arith.constant 0 : i32
    %scan3A_77 = arith.constant 8 : i32
    %scan3A_78 = arith.addi %scan3A, %scan3A_77 : i32
    %scan3A_79 = arith.constant 1 : i32
    %scan3A_80:3 = scf.for %scan3A_93 = %scan3A to %scan3A_78 step %scan3A_79 iter_args(%scan3A_94 = %broadcast_in_dim3A_76, %scan3A_95 = %broadcast_in_dim3A_76, %scan3A_96 = %broadcast_in_dim3A_76) -> (vector<16xf32>, vector<16xf32>, vector<16xf32>)  : i32 {
      %rem3A = arith.constant 4 : i32
      %rem3A_97 = arith.remsi %scan3A_93, %rem3A : i32
      %add3A_98 = arith.constant 4 : i32
      %add3A_99 = arith.addi %scan3A_93, %add3A_98 : i32
      %sub3A = arith.constant 1 : i32
      %sub3A_100 = arith.subi %add3A_99, %sub3A : i32
      %lt3A = arith.constant 8 : i32
      %lt3A_101 = arith.cmpi slt, %sub3A_100, %lt3A : i32
      %convert_element_type3A = arith.extui %lt3A_101 : i1 to i32
      %cond3A = arith.constant 0 : i32
      %cond3A_102 = arith.cmpi ne, %convert_element_type3A, %cond3A : i32
      scf.if %cond3A_102 {
        %add3A_137 = arith.constant 4 : i32
        %add3A_138 = arith.addi %scan3A_93, %add3A_137 : i32
        %sub3A_139 = arith.constant 1 : i32
        %sub3A_140 = arith.subi %add3A_138, %sub3A_139 : i32
        %add3A_141 = arith.constant 4 : i32
        %add3A_142 = arith.addi %scan3A_93, %add3A_141 : i32
        %sub3A_143 = arith.constant 1 : i32
        %sub3A_144 = arith.subi %add3A_142, %sub3A_143 : i32
        %rem3A_145 = arith.constant 4 : i32
        %rem3A_146 = arith.remsi %sub3A_144, %rem3A_145 : i32
        %mul3A_147 = arith.constant 10240 : i32
        %mul3A_148 = arith.muli %add3A, %mul3A_147 : i32
        %mul3A_149 = arith.constant 1280 : i32
        %mul3A_150 = arith.muli %sub3A_140, %mul3A_149 : i32
        %add3A_151 = arith.addi %mul3A_148, %mul3A_150 : i32
        %multiple_of3A_152 = tpu.assume_multiple %add3A_151, 8 : i32
        %mul3A_153 = arith.constant 4 : i32
        %mul3A_154 = arith.muli %multiple_of3A_152, %mul3A_153 : i32
        %multiple_of3A_155 = tpu.assume_multiple %mul3A_154, 8 : i32
        %mul3A_156 = arith.constant 5120 : i32
        %mul3A_157 = arith.muli %rem3A_146, %mul3A_156 : i32
        %multiple_of3A_158 = tpu.assume_multiple %mul3A_157, 8 : i32
        %dma_start3A_159 = tpu.memref_slice %arg6[%multiple_of3A_158] : memref<20480xf32, #tpu.memory_space<vmem>> -> memref<5120xf32, #tpu.memory_space<vmem>>
        %dma_start3A_160 = tpu.memref_slice %arg2[%multiple_of3A_155] : memref<2359296xf32, #tpu.memory_space<hbm>> -> memref<5120xf32, #tpu.memory_space<hbm>>
        %dma_start3A_161 = tpu.memref_slice %arg10[%rem3A_146] : memref<4x!tpu.dma_semaphore, #tpu.memory_space<semaphore_mem>> -> memref<1x!tpu.dma_semaphore, #tpu.memory_space<semaphore_mem>>
        %dma_start3A_162 = tpu.memref_squeeze %dma_start3A_161 : memref<1x!tpu.dma_semaphore, #tpu.memory_space<semaphore_mem>> -> memref<!tpu.dma_semaphore, #tpu.memory_space<semaphore_mem>>
        %dma_start3A_163 = tpu.memref_slice %arg6[%multiple_of3A_158] : memref<20480xf32, #tpu.memory_space<vmem>> -> memref<5120xf32, #tpu.memory_space<vmem>>
        %dma_start3A_164 = tpu.memref_slice %arg2[%multiple_of3A_155] : memref<2359296xf32, #tpu.memory_space<hbm>> -> memref<5120xf32, #tpu.memory_space<hbm>>
        tpu.enqueue_dma source(%dma_start3A_164 : memref<5120xf32, #tpu.memory_space<hbm>>) target(%dma_start3A_163 : memref<5120xf32, #tpu.memory_space<vmem>>) target_semaphore(%dma_start3A_162 : memref<!tpu.dma_semaphore, #tpu.memory_space<semaphore_mem>>)
        %dma_start3A_165 = tpu.memref_slice %arg7[%multiple_of3A_158] : memref<20480xf32, #tpu.memory_space<vmem>> -> memref<5120xf32, #tpu.memory_space<vmem>>
        %dma_start3A_166 = tpu.memref_slice %arg3[%multiple_of3A_155] : memref<2359296xf32, #tpu.memory_space<hbm>> -> memref<5120xf32, #tpu.memory_space<hbm>>
        %dma_start3A_167 = tpu.memref_slice %arg10[%rem3A_146] : memref<4x!tpu.dma_semaphore, #tpu.memory_space<semaphore_mem>> -> memref<1x!tpu.dma_semaphore, #tpu.memory_space<semaphore_mem>>
        %dma_start3A_168 = tpu.memref_squeeze %dma_start3A_167 : memref<1x!tpu.dma_semaphore, #tpu.memory_space<semaphore_mem>> -> memref<!tpu.dma_semaphore, #tpu.memory_space<semaphore_mem>>
        %dma_start3A_169 = tpu.memref_slice %arg7[%multiple_of3A_158] : memref<20480xf32, #tpu.memory_space<vmem>> -> memref<5120xf32, #tpu.memory_space<vmem>>
        %dma_start3A_170 = tpu.memref_slice %arg3[%multiple_of3A_155] : memref<2359296xf32, #tpu.memory_space<hbm>> -> memref<5120xf32, #tpu.memory_space<hbm>>
        tpu.enqueue_dma source(%dma_start3A_170 : memref<5120xf32, #tpu.memory_space<hbm>>) target(%dma_start3A_169 : memref<5120xf32, #tpu.memory_space<vmem>>) target_semaphore(%dma_start3A_168 : memref<!tpu.dma_semaphore, #tpu.memory_space<semaphore_mem>>)
      } else {
      }
      %eq3A = arith.constant 0 : i32
      %eq3A_103 = arith.cmpi eq, %scan3A_93, %eq3A : i32
      %convert_element_type3A_104 = arith.extui %eq3A_103 : i1 to i32
      %cond3A_105 = arith.constant 0 : i32
      %cond3A_106 = arith.cmpi ne, %convert_element_type3A_104, %cond3A_105 : i32
      scf.if %cond3A_106 {
        %dma_wait3A_137 = tpu.memref_slice %arg4[%multiple_of3A] : memref<589824xf32, #tpu.memory_space<hbm>> -> memref<10240xf32, #tpu.memory_space<hbm>>
        %dma_wait3A_138 = tpu.memref_slice %arg4[%multiple_of3A] : memref<589824xf32, #tpu.memory_space<hbm>> -> memref<10240xf32, #tpu.memory_space<hbm>>
        tpu.wait_dma2 semaphore(%arg11 : memref<!tpu.dma_semaphore, #tpu.memory_space<semaphore_mem>>) src(%dma_wait3A_138 : memref<10240xf32, #tpu.memory_space<hbm>>) dst(%arg8 : memref<10240xf32, #tpu.memory_space<vmem>>)
      } else {
      }
      %mul3A_107 = arith.constant 10240 : i32
      %mul3A_108 = arith.muli %add3A, %mul3A_107 : i32
      %mul3A_109 = arith.constant 1280 : i32
      %mul3A_110 = arith.muli %scan3A_93, %mul3A_109 : i32
      %add3A_111 = arith.addi %mul3A_108, %mul3A_110 : i32
      %multiple_of3A_112 = tpu.assume_multiple %add3A_111, 8 : i32
      %mul3A_113 = arith.constant 4 : i32
      %mul3A_114 = arith.muli %multiple_of3A_112, %mul3A_113 : i32
      %multiple_of3A_115 = tpu.assume_multiple %mul3A_114, 8 : i32
      %mul3A_116 = arith.constant 5120 : i32
      %mul3A_117 = arith.muli %rem3A_97, %mul3A_116 : i32
      %multiple_of3A_118 = tpu.assume_multiple %mul3A_117, 8 : i32
      %dma_wait3A = tpu.memref_slice %arg6[%multiple_of3A_118] : memref<20480xf32, #tpu.memory_space<vmem>> -> memref<5120xf32, #tpu.memory_space<vmem>>
      %dma_wait3A_119 = tpu.memref_slice %arg2[%multiple_of3A_115] : memref<2359296xf32, #tpu.memory_space<hbm>> -> memref<5120xf32, #tpu.memory_space<hbm>>
      %dma_wait3A_120 = tpu.memref_slice %arg10[%rem3A_97] : memref<4x!tpu.dma_semaphore, #tpu.memory_space<semaphore_mem>> -> memref<1x!tpu.dma_semaphore, #tpu.memory_space<semaphore_mem>>
      %dma_wait3A_121 = tpu.memref_squeeze %dma_wait3A_120 : memref<1x!tpu.dma_semaphore, #tpu.memory_space<semaphore_mem>> -> memref<!tpu.dma_semaphore, #tpu.memory_space<semaphore_mem>>
      %dma_wait3A_122 = tpu.memref_slice %arg6[%multiple_of3A_118] : memref<20480xf32, #tpu.memory_space<vmem>> -> memref<5120xf32, #tpu.memory_space<vmem>>
      %dma_wait3A_123 = tpu.memref_slice %arg2[%multiple_of3A_115] : memref<2359296xf32, #tpu.memory_space<hbm>> -> memref<5120xf32, #tpu.memory_space<hbm>>
      tpu.wait_dma2 semaphore(%dma_wait3A_121 : memref<!tpu.dma_semaphore, #tpu.memory_space<semaphore_mem>>) src(%dma_wait3A_123 : memref<5120xf32, #tpu.memory_space<hbm>>) dst(%dma_wait3A_122 : memref<5120xf32, #tpu.memory_space<vmem>>)
      %dma_wait3A_124 = tpu.memref_slice %arg7[%multiple_of3A_118] : memref<20480xf32, #tpu.memory_space<vmem>> -> memref<5120xf32, #tpu.memory_space<vmem>>
      %dma_wait3A_125 = tpu.memref_slice %arg3[%multiple_of3A_115] : memref<2359296xf32, #tpu.memory_space<hbm>> -> memref<5120xf32, #tpu.memory_space<hbm>>
      %dma_wait3A_126 = tpu.memref_slice %arg10[%rem3A_97] : memref<4x!tpu.dma_semaphore, #tpu.memory_space<semaphore_mem>> -> memref<1x!tpu.dma_semaphore, #tpu.memory_space<semaphore_mem>>
      %dma_wait3A_127 = tpu.memref_squeeze %dma_wait3A_126 : memref<1x!tpu.dma_semaphore, #tpu.memory_space<semaphore_mem>> -> memref<!tpu.dma_semaphore, #tpu.memory_space<semaphore_mem>>
      %dma_wait3A_128 = tpu.memref_slice %arg7[%multiple_of3A_118] : memref<20480xf32, #tpu.memory_space<vmem>> -> memref<5120xf32, #tpu.memory_space<vmem>>
      %dma_wait3A_129 = tpu.memref_slice %arg3[%multiple_of3A_115] : memref<2359296xf32, #tpu.memory_space<hbm>> -> memref<5120xf32, #tpu.memory_space<hbm>>
      tpu.wait_dma2 semaphore(%dma_wait3A_127 : memref<!tpu.dma_semaphore, #tpu.memory_space<semaphore_mem>>) src(%dma_wait3A_129 : memref<5120xf32, #tpu.memory_space<hbm>>) dst(%dma_wait3A_128 : memref<5120xf32, #tpu.memory_space<vmem>>)
      %mul3A_130 = arith.constant 1280 : i32
      %mul3A_131 = arith.muli %scan3A_93, %mul3A_130 : i32
      %mul3A_132 = arith.constant 5120 : i32
      %mul3A_133 = arith.muli %rem3A_97, %mul3A_132 : i32
      %parallel_loop3A = arith.constant 0 : i32
      %parallel_loop3A_134 = arith.constant 80 : i32
      %parallel_loop3A_135 = arith.constant 1 : i32
      %parallel_loop3A_136:3 = scf.for %parallel_loop3A_137 = %parallel_loop3A to %parallel_loop3A_134 step %parallel_loop3A_135 iter_args(%parallel_loop3A_138 = %scan3A_94, %parallel_loop3A_139 = %scan3A_95, %parallel_loop3A_140 = %scan3A_96) -> (vector<16xf32>, vector<16xf32>, vector<16xf32>)  : i32 {
        %parallel_loop3A_141 = arith.constant 16 : i32
        %parallel_loop3A_142 = arith.muli %parallel_loop3A_137, %parallel_loop3A_141 : i32
        %parallel_loop3A_143 = arith.addi %mul3A_131, %parallel_loop3A_142 : i32
        %parallel_loop3A_144 = arith.index_cast %parallel_loop3A_143 : i32 to index
        %parallel_loop3A_145 = tpu.vector_load %arg8[%parallel_loop3A_144] {strides = array<i32>} : memref<10240xf32, #tpu.memory_space<vmem>>, vector<16xf32>,
        %parallel_loop3A_146 = arith.constant 0.000000e+00 : f32
        %parallel_loop3A_147 = vector.broadcast %parallel_loop3A_146 : f32 to vector<16xf32>
        %parallel_loop3A_148 = arith.cmpf ogt, %parallel_loop3A_145, %parallel_loop3A_147 : vector<16xf32>
        %parallel_loop3A_149 = arith.constant 1.000000e+00 : f32
        %parallel_loop3A_150 = arith.constant 0.000000e+00 : f32
        %parallel_loop3A_151 = vector.broadcast %parallel_loop3A_149 : f32 to vector<16xf32>
        %parallel_loop3A_152 = vector.broadcast %parallel_loop3A_150 : f32 to vector<16xf32>
        %parallel_loop3A_153 = arith.select %parallel_loop3A_148, %parallel_loop3A_151, %parallel_loop3A_152 : vector<16xi1>, vector<16xf32>
        %parallel_loop3A_154 = arith.addf %parallel_loop3A_139, %parallel_loop3A_153 : vector<16xf32>
        %parallel_loop3A_155 = arith.constant -1.000000e+00 : f32
        %parallel_loop3A_156 = vector.broadcast %parallel_loop3A_155 : f32 to vector<16xf32>
        %parallel_loop3A_157 = arith.cmpf one, %parallel_loop3A_145, %parallel_loop3A_156 : vector<16xf32>
        %parallel_loop3A_158 = arith.constant 1.000000e+00 : f32
        %parallel_loop3A_159 = arith.constant 0.000000e+00 : f32
        %parallel_loop3A_160 = vector.broadcast %parallel_loop3A_158 : f32 to vector<16xf32>
        %parallel_loop3A_161 = vector.broadcast %parallel_loop3A_159 : f32 to vector<16xf32>
        %parallel_loop3A_162 = arith.select %parallel_loop3A_157, %parallel_loop3A_160, %parallel_loop3A_161 : vector<16xi1>, vector<16xf32>
        %parallel_loop3A_163 = arith.addf %parallel_loop3A_140, %parallel_loop3A_162 : vector<16xf32>
        %parallel_loop3A_164 = arith.constant 3 : i32
        %parallel_loop3A_165 = arith.shrsi %parallel_loop3A_137, %parallel_loop3A_164 : i32
        %parallel_loop3A_166 = arith.constant 512 : i32
        %parallel_loop3A_167 = arith.muli %parallel_loop3A_166, %parallel_loop3A_165 : i32
        %parallel_loop3A_168 = arith.addi %mul3A_133, %parallel_loop3A_167 : i32
        %parallel_loop3A_169 = arith.constant 7 : i32
        %parallel_loop3A_170 = arith.andi %parallel_loop3A_137, %parallel_loop3A_169 : i32
        %parallel_loop3A_171 = arith.constant 16 : i32
        %parallel_loop3A_172 = arith.muli %parallel_loop3A_171, %parallel_loop3A_170 : i32
        %parallel_loop3A_173 = arith.addi %parallel_loop3A_168, %parallel_loop3A_172 : i32
        %parallel_loop3A_174 = arith.constant 0 : i32
        %parallel_loop3A_175 = arith.addi %parallel_loop3A_173, %parallel_loop3A_174 : i32
        %parallel_loop3A_176 = arith.index_cast %parallel_loop3A_175 : i32 to index
        %parallel_loop3A_177 = tpu.vector_load %arg6[%parallel_loop3A_176] {strides = array<i32>} : memref<20480xf32, #tpu.memory_space<vmem>>, vector<16xf32>,
        %parallel_loop3A_178 = arith.constant 0 : i32
        %parallel_loop3A_179 = arith.addi %parallel_loop3A_173, %parallel_loop3A_178 : i32
        %parallel_loop3A_180 = arith.index_cast %parallel_loop3A_179 : i32 to index
        %parallel_loop3A_181 = tpu.vector_load %arg7[%parallel_loop3A_180] {strides = array<i32>} : memref<20480xf32, #tpu.memory_space<vmem>>, vector<16xf32>,
        %parallel_loop3A_182 = arith.subf %parallel_loop3A_177, %parallel_loop3A_181 : vector<16xf32>
        %parallel_loop3A_183 = math.absf %parallel_loop3A_182 : vector<16xf32>
        %parallel_loop3A_184 = arith.constant 1.000000e+00 : f32
        %parallel_loop3A_185 = vector.broadcast %parallel_loop3A_184 : f32 to vector<16xf32>
        %parallel_loop3A_186 = arith.minimumf %parallel_loop3A_183, %parallel_loop3A_185 : vector<16xf32>
        %parallel_loop3A_187 = arith.constant 5.000000e-01 : f32
        %parallel_loop3A_188 = vector.broadcast %parallel_loop3A_187 : f32 to vector<16xf32>
        %parallel_loop3A_189 = arith.mulf %parallel_loop3A_188, %parallel_loop3A_186 : vector<16xf32>
        %parallel_loop3A_190 = arith.mulf %parallel_loop3A_189, %parallel_loop3A_186 : vector<16xf32>
        %parallel_loop3A_191 = arith.subf %parallel_loop3A_183, %parallel_loop3A_186 : vector<16xf32>
        %parallel_loop3A_192 = arith.addf %parallel_loop3A_190, %parallel_loop3A_191 : vector<16xf32>
        %parallel_loop3A_193 = arith.mulf %parallel_loop3A_192, %parallel_loop3A_153 : vector<16xf32>
        %parallel_loop3A_194 = arith.addf %parallel_loop3A_138, %parallel_loop3A_193 : vector<16xf32>
        %parallel_loop3A_195 = arith.constant 128 : i32
        %parallel_loop3A_196 = arith.addi %parallel_loop3A_173, %parallel_loop3A_195 : i32
        %parallel_loop3A_197 = arith.index_cast %parallel_loop3A_196 : i32 to index
        %parallel_loop3A_198 = tpu.vector_load %arg6[%parallel_loop3A_197] {strides = array<i32>} : memref<20480xf32, #tpu.memory_space<vmem>>, vector<16xf32>,
        %parallel_loop3A_199 = arith.constant 128 : i32
        %parallel_loop3A_200 = arith.addi %parallel_loop3A_173, %parallel_loop3A_199 : i32
        %parallel_loop3A_201 = arith.index_cast %parallel_loop3A_200 : i32 to index
        %parallel_loop3A_202 = tpu.vector_load %arg7[%parallel_loop3A_201] {strides = array<i32>} : memref<20480xf32, #tpu.memory_space<vmem>>, vector<16xf32>,
        %parallel_loop3A_203 = arith.subf %parallel_loop3A_198, %parallel_loop3A_202 : vector<16xf32>
        %parallel_loop3A_204 = math.absf %parallel_loop3A_203 : vector<16xf32>
        %parallel_loop3A_205 = arith.constant 1.000000e+00 : f32
        %parallel_loop3A_206 = vector.broadcast %parallel_loop3A_205 : f32 to vector<16xf32>
        %parallel_loop3A_207 = arith.minimumf %parallel_loop3A_204, %parallel_loop3A_206 : vector<16xf32>
        %parallel_loop3A_208 = arith.constant 5.000000e-01 : f32
        %parallel_loop3A_209 = vector.broadcast %parallel_loop3A_208 : f32 to vector<16xf32>
        %parallel_loop3A_210 = arith.mulf %parallel_loop3A_209, %parallel_loop3A_207 : vector<16xf32>
        %parallel_loop3A_211 = arith.mulf %parallel_loop3A_210, %parallel_loop3A_207 : vector<16xf32>
        %parallel_loop3A_212 = arith.subf %parallel_loop3A_204, %parallel_loop3A_207 : vector<16xf32>
        %parallel_loop3A_213 = arith.addf %parallel_loop3A_211, %parallel_loop3A_212 : vector<16xf32>
        %parallel_loop3A_214 = arith.mulf %parallel_loop3A_213, %parallel_loop3A_153 : vector<16xf32>
        %parallel_loop3A_215 = arith.addf %parallel_loop3A_194, %parallel_loop3A_214 : vector<16xf32>
        %parallel_loop3A_216 = arith.constant 256 : i32
        %parallel_loop3A_217 = arith.addi %parallel_loop3A_173, %parallel_loop3A_216 : i32
        %parallel_loop3A_218 = arith.index_cast %parallel_loop3A_217 : i32 to index
        %parallel_loop3A_219 = tpu.vector_load %arg6[%parallel_loop3A_218] {strides = array<i32>} : memref<20480xf32, #tpu.memory_space<vmem>>, vector<16xf32>,
        %parallel_loop3A_220 = arith.constant 256 : i32
        %parallel_loop3A_221 = arith.addi %parallel_loop3A_173, %parallel_loop3A_220 : i32
        %parallel_loop3A_222 = arith.index_cast %parallel_loop3A_221 : i32 to index
        %parallel_loop3A_223 = tpu.vector_load %arg7[%parallel_loop3A_222] {strides = array<i32>} : memref<20480xf32, #tpu.memory_space<vmem>>, vector<16xf32>,
        %parallel_loop3A_224 = arith.subf %parallel_loop3A_219, %parallel_loop3A_223 : vector<16xf32>
        %parallel_loop3A_225 = math.absf %parallel_loop3A_224 : vector<16xf32>
        %parallel_loop3A_226 = arith.constant 1.000000e+00 : f32
        %parallel_loop3A_227 = vector.broadcast %parallel_loop3A_226 : f32 to vector<16xf32>
        %parallel_loop3A_228 = arith.minimumf %parallel_loop3A_225, %parallel_loop3A_227 : vector<16xf32>
        %parallel_loop3A_229 = arith.constant 5.000000e-01 : f32
        %parallel_loop3A_230 = vector.broadcast %parallel_loop3A_229 : f32 to vector<16xf32>
        %parallel_loop3A_231 = arith.mulf %parallel_loop3A_230, %parallel_loop3A_228 : vector<16xf32>
        %parallel_loop3A_232 = arith.mulf %parallel_loop3A_231, %parallel_loop3A_228 : vector<16xf32>
        %parallel_loop3A_233 = arith.subf %parallel_loop3A_225, %parallel_loop3A_228 : vector<16xf32>
        %parallel_loop3A_234 = arith.addf %parallel_loop3A_232, %parallel_loop3A_233 : vector<16xf32>
        %parallel_loop3A_235 = arith.mulf %parallel_loop3A_234, %parallel_loop3A_153 : vector<16xf32>
        %parallel_loop3A_236 = arith.addf %parallel_loop3A_215, %parallel_loop3A_235 : vector<16xf32>
        %parallel_loop3A_237 = arith.constant 384 : i32
        %parallel_loop3A_238 = arith.addi %parallel_loop3A_173, %parallel_loop3A_237 : i32
        %parallel_loop3A_239 = arith.index_cast %parallel_loop3A_238 : i32 to index
        %parallel_loop3A_240 = tpu.vector_load %arg6[%parallel_loop3A_239] {strides = array<i32>} : memref<20480xf32, #tpu.memory_space<vmem>>, vector<16xf32>,
        %parallel_loop3A_241 = arith.constant 384 : i32
        %parallel_loop3A_242 = arith.addi %parallel_loop3A_173, %parallel_loop3A_241 : i32
        %parallel_loop3A_243 = arith.index_cast %parallel_loop3A_242 : i32 to index
        %parallel_loop3A_244 = tpu.vector_load %arg7[%parallel_loop3A_243] {strides = array<i32>} : memref<20480xf32, #tpu.memory_space<vmem>>, vector<16xf32>,
        %parallel_loop3A_245 = arith.subf %parallel_loop3A_240, %parallel_loop3A_244 : vector<16xf32>
        %parallel_loop3A_246 = math.absf %parallel_loop3A_245 : vector<16xf32>
        %parallel_loop3A_247 = arith.constant 1.000000e+00 : f32
        %parallel_loop3A_248 = vector.broadcast %parallel_loop3A_247 : f32 to vector<16xf32>
        %parallel_loop3A_249 = arith.minimumf %parallel_loop3A_246, %parallel_loop3A_248 : vector<16xf32>
        %parallel_loop3A_250 = arith.constant 5.000000e-01 : f32
        %parallel_loop3A_251 = vector.broadcast %parallel_loop3A_250 : f32 to vector<16xf32>
        %parallel_loop3A_252 = arith.mulf %parallel_loop3A_251, %parallel_loop3A_249 : vector<16xf32>
        %parallel_loop3A_253 = arith.mulf %parallel_loop3A_252, %parallel_loop3A_249 : vector<16xf32>
        %parallel_loop3A_254 = arith.subf %parallel_loop3A_246, %parallel_loop3A_249 : vector<16xf32>
        %parallel_loop3A_255 = arith.addf %parallel_loop3A_253, %parallel_loop3A_254 : vector<16xf32>
        %parallel_loop3A_256 = arith.mulf %parallel_loop3A_255, %parallel_loop3A_153 : vector<16xf32>
        %parallel_loop3A_257 = arith.addf %parallel_loop3A_236, %parallel_loop3A_256 : vector<16xf32>
        scf.yield %parallel_loop3A_257, %parallel_loop3A_154, %parallel_loop3A_163 : vector<16xf32>, vector<16xf32>, vector<16xf32>
      } {sc.loop_unroll_factor = 2 : i64, sc.parallel_access}
      scf.yield %parallel_loop3A_136#0, %parallel_loop3A_136#1, %parallel_loop3A_136#2 : vector<16xf32>, vector<16xf32>, vector<16xf32>
    }
    %scan3A_81 = arith.constant 8 : i32
    %swap3A = arith.constant 0 : i32
    %swap3A_82 = arith.index_cast %swap3A : i32 to index
    %swap3A_83 = arith.constant 0 : index
    %swap3A_84 = tpu.vector_load %arg9[%swap3A_82, %swap3A_83] {strides = array<i32>} : memref<3x16xf32, #tpu.memory_space<vmem>>, vector<16xf32>,
    tpu.vector_store %arg9[%swap3A_82, %swap3A_83], %scan3A_80#0 {strides = array<i32>} : memref<3x16xf32, #tpu.memory_space<vmem>>, vector<16xf32>,
    %swap3A_85 = arith.constant 1 : i32
    %swap3A_86 = arith.index_cast %swap3A_85 : i32 to index
    %swap3A_87 = arith.constant 0 : index
    %swap3A_88 = tpu.vector_load %arg9[%swap3A_86, %swap3A_87] {strides = array<i32>} : memref<3x16xf32, #tpu.memory_space<vmem>>, vector<16xf32>,
    tpu.vector_store %arg9[%swap3A_86, %swap3A_87], %scan3A_80#1 {strides = array<i32>} : memref<3x16xf32, #tpu.memory_space<vmem>>, vector<16xf32>,
    %swap3A_89 = arith.constant 2 : i32
    %swap3A_90 = arith.index_cast %swap3A_89 : i32 to index
    %swap3A_91 = arith.constant 0 : index
    %swap3A_92 = tpu.vector_load %arg9[%swap3A_90, %swap3A_91] {strides = array<i32>} : memref<3x16xf32, #tpu.memory_space<vmem>>, vector<16xf32>,
    tpu.vector_store %arg9[%swap3A_90, %swap3A_91], %scan3A_80#2 {strides = array<i32>} : memref<3x16xf32, #tpu.memory_space<vmem>>, vector<16xf32>,
    "tpu.region"() ({
      %run_scoped3A = tpu.sem_alloc : memref<!tpu.dma_semaphore, #tpu.memory_space<semaphore_mem>>
      %dma_start3A_93 = arith.constant 0 : i32
      %dma_start3A_94 = arith.constant 0 : i32
      %dma_start3A_95 = tpu.memref_slice %arg5[%add3A, %dma_start3A_93, %dma_start3A_94] : memref<32x3x16xf32, #tpu.memory_space<hbm>> -> memref<1x3x16xf32, #tpu.memory_space<hbm>>
      %dma_start3A_96 = tpu.memref_squeeze %dma_start3A_95 : memref<1x3x16xf32, #tpu.memory_space<hbm>> -> memref<3x16xf32, #tpu.memory_space<hbm>>
      %dma_start3A_97 = arith.constant 0 : i32
      %dma_start3A_98 = arith.constant 0 : i32
      %dma_start3A_99 = tpu.memref_slice %arg5[%add3A, %dma_start3A_97, %dma_start3A_98] : memref<32x3x16xf32, #tpu.memory_space<hbm>> -> memref<1x3x16xf32, #tpu.memory_space<hbm>>
      %dma_start3A_100 = tpu.memref_squeeze %dma_start3A_99 : memref<1x3x16xf32, #tpu.memory_space<hbm>> -> memref<3x16xf32, #tpu.memory_space<hbm>>
      tpu.enqueue_dma source(%arg9 : memref<3x16xf32, #tpu.memory_space<vmem>>) target(%dma_start3A_100 : memref<3x16xf32, #tpu.memory_space<hbm>>) target_semaphore(%run_scoped3A : memref<!tpu.dma_semaphore, #tpu.memory_space<semaphore_mem>>)
      %dma_wait3A = arith.constant 0 : i32
      %dma_wait3A_101 = arith.constant 0 : i32
      %dma_wait3A_102 = tpu.memref_slice %arg5[%add3A, %dma_wait3A, %dma_wait3A_101] : memref<32x3x16xf32, #tpu.memory_space<hbm>> -> memref<1x3x16xf32, #tpu.memory_space<hbm>>
      %dma_wait3A_103 = tpu.memref_squeeze %dma_wait3A_102 : memref<1x3x16xf32, #tpu.memory_space<hbm>> -> memref<3x16xf32, #tpu.memory_space<hbm>>
      %dma_wait3A_104 = arith.constant 0 : i32
      %dma_wait3A_105 = arith.constant 0 : i32
      %dma_wait3A_106 = tpu.memref_slice %arg5[%add3A, %dma_wait3A_104, %dma_wait3A_105] : memref<32x3x16xf32, #tpu.memory_space<hbm>> -> memref<1x3x16xf32, #tpu.memory_space<hbm>>
      %dma_wait3A_107 = tpu.memref_squeeze %dma_wait3A_106 : memref<1x3x16xf32, #tpu.memory_space<hbm>> -> memref<3x16xf32, #tpu.memory_space<hbm>>
      tpu.wait_dma2 semaphore(%run_scoped3A : memref<!tpu.dma_semaphore, #tpu.memory_space<semaphore_mem>>) src(%arg9 : memref<3x16xf32, #tpu.memory_space<vmem>>) dst(%dma_wait3A_107 : memref<3x16xf32, #tpu.memory_space<hbm>>)
      tpu.yield
    }) : () -> ()
    return
  }
}

module attributes {stable_mosaic.version = 14 : i64} {
  func.func @_cls_body(%arg0: i32, %arg1: memref<576x128xf32, #tpu.memory_space<vmem>>, %arg2: memref<576x128xf32, #tpu.memory_space<vmem>>, %arg3: memref<1024x128xf32, #tpu.memory_space<vmem>>, %arg4: memref<1024x128xf32, #tpu.memory_space<vmem>>, %arg5: memref<256x128xf32, #tpu.memory_space<vmem>>, %arg6: memref<1x1xf32, #tpu.memory_space<smem>>, %arg7: memref<1x1xf32, #tpu.memory_space<smem>>, %arg8: memref<1x1xf32, #tpu.memory_space<smem>>, %arg9: memref<1x1xf32, #tpu.memory_space<smem>>, %arg10: memref<1x1xf32, #tpu.memory_space<smem>>) attributes {dimension_semantics = [#tpu.dimension_semantics<arbitrary>], iteration_bounds = array<i64: 8>, scalar_prefetch = 0 : i64, scratch_operands = 0 : i64, tpu.core_type = #tpu.core_type<tc>, window_params = [{transform_indices = @transform_0, window_bounds = array<i64: 576, 128>}, {transform_indices = @transform_1, window_bounds = array<i64: 576, 128>}, {transform_indices = @transform_2, window_bounds = array<i64: 1024, 128>}, {transform_indices = @transform_3, window_bounds = array<i64: 1024, 128>}, {transform_indices = @transform_4, window_bounds = array<i64: 256, 128>}, {transform_indices = @transform_5, window_bounds = array<i64: 1, 1>}, {transform_indices = @transform_6, window_bounds = array<i64: 1, 1>}, {transform_indices = @transform_7, window_bounds = array<i64: 1, 1>}, {transform_indices = @transform_8, window_bounds = array<i64: 1, 1>}, {transform_indices = @transform_9, window_bounds = array<i64: 1, 1>}]} {
    %get3A = arith.constant 0 : index
    %get3A_0 = arith.constant 0 : index
    %get3A_1 = vector.load %arg1[%get3A, %get3A_0] : memref<576x128xf32, #tpu.memory_space<vmem>>, vector<576x128xf32>
    %get3A_2 = arith.constant 0 : index
    %get3A_3 = arith.constant 0 : index
    %get3A_4 = vector.load %arg2[%get3A_2, %get3A_3] : memref<576x128xf32, #tpu.memory_space<vmem>>, vector<576x128xf32>
    %jit3A = arith.constant 1.000000e-07 : f32
    %jit3A_5 = arith.constant 0.99999988 : f32
    %max3A = vector.broadcast %jit3A : f32 to vector<576x128xf32>
    %max3A_6 = arith.maximumf %max3A, %get3A_4 : vector<576x128xf32>
    %min3A = vector.broadcast %jit3A_5 : f32 to vector<576x128xf32>
    %min3A_7 = arith.minimumf %min3A, %max3A_6 : vector<576x128xf32>
    %ne3A = arith.constant -1.000000e+00 : f32
    %ne3A_8 = vector.broadcast %ne3A : f32 to vector<576x128xf32>
    %ne3A_9 = arith.cmpf one, %get3A_1, %ne3A_8 : vector<576x128xf32>
    %gt3A = arith.constant 5.000000e-01 : f32
    %gt3A_10 = vector.broadcast %gt3A : f32 to vector<576x128xf32>
    %gt3A_11 = arith.cmpf ogt, %get3A_1, %gt3A_10 : vector<576x128xf32>
    %sub3A = arith.constant 1.000000e+00 : f32
    %sub3A_12 = vector.broadcast %sub3A : f32 to vector<576x128xf32>
    %sub3A_13 = arith.subf %sub3A_12, %min3A_7 : vector<576x128xf32>
    %select_n3A = arith.select %gt3A_11, %min3A_7, %sub3A_13 : vector<576x128xi1>, vector<576x128xf32>
    %jit3A_14 = arith.constant 1.000000e+00 : f32
    %broadcast_in_dim3A = vector.broadcast %jit3A_14 : f32 to vector<576x128xf32>
    %select_n3A_15 = arith.select %ne3A_9, %select_n3A, %broadcast_in_dim3A : vector<576x128xi1>, vector<576x128xf32>
    %slice3A = vector.extract_strided_slice %select_n3A_15 {offsets = [0, 0], sizes = [144, 128], strides = [1, 1]} : vector<576x128xf32> to vector<144x128xf32>
    %slice3A_16 = vector.extract_strided_slice %select_n3A_15 {offsets = [144, 0], sizes = [144, 128], strides = [1, 1]} : vector<576x128xf32> to vector<144x128xf32>
    %mul3A = arith.mulf %slice3A, %slice3A_16 : vector<144x128xf32>
    %slice3A_17 = vector.extract_strided_slice %select_n3A_15 {offsets = [288, 0], sizes = [144, 128], strides = [1, 1]} : vector<576x128xf32> to vector<144x128xf32>
    %slice3A_18 = vector.extract_strided_slice %select_n3A_15 {offsets = [432, 0], sizes = [144, 128], strides = [1, 1]} : vector<576x128xf32> to vector<144x128xf32>
    %mul3A_19 = arith.mulf %slice3A_17, %slice3A_18 : vector<144x128xf32>
    %mul3A_20 = arith.mulf %mul3A, %mul3A_19 : vector<144x128xf32>
    %log3A = math.log %mul3A_20 : vector<144x128xf32>
    %reduce_sum3A = vector.shape_cast %log3A : vector<144x128xf32> to vector<1x144x128xf32>
    %reduce_sum3A_21 = arith.constant dense<0.000000e+00> : vector<1xf32>
    %reduce_sum3A_22 = vector.multi_reduction <add>, %reduce_sum3A, %reduce_sum3A_21 [1, 2] : vector<1x144x128xf32> to vector<1xf32>
    %reduce_sum3A_23 = vector.shape_cast %reduce_sum3A_22 : vector<1xf32> to vector<1x1x1xf32>
    %reduce_sum3A_24 = vector.extract %reduce_sum3A_23[0, 0, 0] : f32 from vector<1x1x1xf32>
    %neg3A = arith.constant 0.000000e+00 : f32
    %neg3A_25 = arith.subf %neg3A, %reduce_sum3A_24 : f32
    %convert_element_type3A = arith.extui %ne3A_9 : vector<576x128xi1> to vector<576x128xi32>
    %convert_element_type3A_26 = arith.sitofp %convert_element_type3A : vector<576x128xi32> to vector<576x128xf32>
    %reduce_sum3A_27 = vector.shape_cast %convert_element_type3A_26 : vector<576x128xf32> to vector<1x576x128xf32>
    %reduce_sum3A_28 = arith.constant dense<0.000000e+00> : vector<1xf32>
    %reduce_sum3A_29 = vector.multi_reduction <add>, %reduce_sum3A_27, %reduce_sum3A_28 [1, 2] : vector<1x576x128xf32> to vector<1xf32>
    %reduce_sum3A_30 = vector.shape_cast %reduce_sum3A_29 : vector<1xf32> to vector<1x1x1xf32>
    %reduce_sum3A_31 = vector.extract %reduce_sum3A_30[0, 0, 0] : f32 from vector<1x1x1xf32>
    %get3A_32 = arith.constant 0 : index
    %get3A_33 = arith.constant 0 : index
    %get3A_34 = vector.load %arg5[%get3A_32, %get3A_33] : memref<256x128xf32, #tpu.memory_space<vmem>>, vector<256x128xf32>
    %gt3A_35 = arith.constant 0.000000e+00 : f32
    %gt3A_36 = vector.broadcast %gt3A_35 : f32 to vector<256x128xf32>
    %gt3A_37 = arith.cmpf ogt, %get3A_34, %gt3A_36 : vector<256x128xf32>
    %jit3A_38 = arith.constant 1.000000e+00 : f32
    %jit3A_39 = arith.constant 0.000000e+00 : f32
    %broadcast_in_dim3A_40 = vector.broadcast %jit3A_38 : f32 to vector<256x128xf32>
    %broadcast_in_dim3A_41 = vector.broadcast %jit3A_39 : f32 to vector<256x128xf32>
    %select_n3A_42 = arith.select %gt3A_37, %broadcast_in_dim3A_40, %broadcast_in_dim3A_41 : vector<256x128xi1>, vector<256x128xf32>
    %ne3A_43 = arith.constant -1.000000e+00 : f32
    %ne3A_44 = vector.broadcast %ne3A_43 : f32 to vector<256x128xf32>
    %ne3A_45 = arith.cmpf one, %get3A_34, %ne3A_44 : vector<256x128xf32>
    %jit3A_46 = arith.constant 1.000000e+00 : f32
    %jit3A_47 = arith.constant 0.000000e+00 : f32
    %broadcast_in_dim3A_48 = vector.broadcast %jit3A_46 : f32 to vector<256x128xf32>
    %broadcast_in_dim3A_49 = vector.broadcast %jit3A_47 : f32 to vector<256x128xf32>
    %select_n3A_50 = arith.select %ne3A_45, %broadcast_in_dim3A_48, %broadcast_in_dim3A_49 : vector<256x128xi1>, vector<256x128xf32>
    %get3A_51 = arith.constant 0 : index
    %get3A_52 = arith.constant 0 : index
    %get3A_53 = vector.load %arg3[%get3A_51, %get3A_52] : memref<1024x128xf32, #tpu.memory_space<vmem>>, vector<1024x128xf32>
    %get3A_54 = arith.constant 0 : index
    %get3A_55 = arith.constant 0 : index
    %get3A_56 = vector.load %arg4[%get3A_54, %get3A_55] : memref<1024x128xf32, #tpu.memory_space<vmem>>, vector<1024x128xf32>
    %sub3A_57 = arith.subf %get3A_53, %get3A_56 : vector<1024x128xf32>
    %abs3A = math.absf %sub3A_57 : vector<1024x128xf32>
    %min3A_58 = arith.constant 1.000000e+00 : f32
    %min3A_59 = vector.broadcast %min3A_58 : f32 to vector<1024x128xf32>
    %min3A_60 = arith.minimumf %abs3A, %min3A_59 : vector<1024x128xf32>
    %mul3A_61 = arith.constant 5.000000e-01 : f32
    %mul3A_62 = vector.broadcast %mul3A_61 : f32 to vector<1024x128xf32>
    %mul3A_63 = arith.mulf %mul3A_62, %min3A_60 : vector<1024x128xf32>
    %mul3A_64 = arith.mulf %mul3A_63, %min3A_60 : vector<1024x128xf32>
    %sub3A_65 = arith.subf %abs3A, %min3A_60 : vector<1024x128xf32>
    %add3A = arith.addf %mul3A_64, %sub3A_65 : vector<1024x128xf32>
    %reshape3A = vector.shape_cast %add3A : vector<1024x128xf32> to vector<256x4x128xf32>
    %reduce_sum3A_66 = arith.constant dense<0.000000e+00> : vector<256x128xf32>
    %reduce_sum3A_67 = vector.multi_reduction <add>, %reshape3A, %reduce_sum3A_66 [1] : vector<256x4x128xf32> to vector<256x128xf32>
    %mul3A_68 = arith.mulf %reduce_sum3A_67, %select_n3A_42 : vector<256x128xf32>
    %reduce_sum3A_69 = vector.shape_cast %mul3A_68 : vector<256x128xf32> to vector<1x256x128xf32>
    %reduce_sum3A_70 = arith.constant dense<0.000000e+00> : vector<1xf32>
    %reduce_sum3A_71 = vector.multi_reduction <add>, %reduce_sum3A_69, %reduce_sum3A_70 [1, 2] : vector<1x256x128xf32> to vector<1xf32>
    %reduce_sum3A_72 = vector.shape_cast %reduce_sum3A_71 : vector<1xf32> to vector<1x1x1xf32>
    %reduce_sum3A_73 = vector.extract %reduce_sum3A_72[0, 0, 0] : f32 from vector<1x1x1xf32>
    %reduce_sum3A_74 = vector.shape_cast %select_n3A_42 : vector<256x128xf32> to vector<1x256x128xf32>
    %reduce_sum3A_75 = arith.constant dense<0.000000e+00> : vector<1xf32>
    %reduce_sum3A_76 = vector.multi_reduction <add>, %reduce_sum3A_74, %reduce_sum3A_75 [1, 2] : vector<1x256x128xf32> to vector<1xf32>
    %reduce_sum3A_77 = vector.shape_cast %reduce_sum3A_76 : vector<1xf32> to vector<1x1x1xf32>
    %reduce_sum3A_78 = vector.extract %reduce_sum3A_77[0, 0, 0] : f32 from vector<1x1x1xf32>
    %reduce_sum3A_79 = vector.shape_cast %select_n3A_50 : vector<256x128xf32> to vector<1x256x128xf32>
    %reduce_sum3A_80 = arith.constant dense<0.000000e+00> : vector<1xf32>
    %reduce_sum3A_81 = vector.multi_reduction <add>, %reduce_sum3A_79, %reduce_sum3A_80 [1, 2] : vector<1x256x128xf32> to vector<1xf32>
    %reduce_sum3A_82 = vector.shape_cast %reduce_sum3A_81 : vector<1xf32> to vector<1x1x1xf32>
    %reduce_sum3A_83 = vector.extract %reduce_sum3A_82[0, 0, 0] : f32 from vector<1x1x1xf32>
    %eq3A = arith.constant 0 : i32
    %eq3A_84 = arith.cmpi eq, %arg0, %eq3A : i32
    %convert_element_type3A_85 = arith.extui %eq3A_84 : i1 to i32
    %cond3A = arith.constant 0 : i32
    %cond3A_86 = arith.cmpi ne, %convert_element_type3A_85, %cond3A : i32
    scf.if %cond3A_86 {
      %swap3A_121 = arith.constant 0.000000e+00 : f32
      %swap3A_122 = arith.constant 0 : index
      %swap3A_123 = arith.constant 0 : index
      %swap3A_124 = memref.load %arg6[%swap3A_122, %swap3A_123] : memref<1x1xf32, #tpu.memory_space<smem>>
      memref.store %swap3A_121, %arg6[%swap3A_122, %swap3A_123] : memref<1x1xf32, #tpu.memory_space<smem>>
      %swap3A_125 = arith.constant 0.000000e+00 : f32
      %swap3A_126 = arith.constant 0 : index
      %swap3A_127 = arith.constant 0 : index
      %swap3A_128 = memref.load %arg7[%swap3A_126, %swap3A_127] : memref<1x1xf32, #tpu.memory_space<smem>>
      memref.store %swap3A_125, %arg7[%swap3A_126, %swap3A_127] : memref<1x1xf32, #tpu.memory_space<smem>>
      %swap3A_129 = arith.constant 0.000000e+00 : f32
      %swap3A_130 = arith.constant 0 : index
      %swap3A_131 = arith.constant 0 : index
      %swap3A_132 = memref.load %arg8[%swap3A_130, %swap3A_131] : memref<1x1xf32, #tpu.memory_space<smem>>
      memref.store %swap3A_129, %arg8[%swap3A_130, %swap3A_131] : memref<1x1xf32, #tpu.memory_space<smem>>
      %swap3A_133 = arith.constant 0.000000e+00 : f32
      %swap3A_134 = arith.constant 0 : index
      %swap3A_135 = arith.constant 0 : index
      %swap3A_136 = memref.load %arg9[%swap3A_134, %swap3A_135] : memref<1x1xf32, #tpu.memory_space<smem>>
      memref.store %swap3A_133, %arg9[%swap3A_134, %swap3A_135] : memref<1x1xf32, #tpu.memory_space<smem>>
      %swap3A_137 = arith.constant 0.000000e+00 : f32
      %swap3A_138 = arith.constant 0 : index
      %swap3A_139 = arith.constant 0 : index
      %swap3A_140 = memref.load %arg10[%swap3A_138, %swap3A_139] : memref<1x1xf32, #tpu.memory_space<smem>>
      memref.store %swap3A_137, %arg10[%swap3A_138, %swap3A_139] : memref<1x1xf32, #tpu.memory_space<smem>>
    } else {
    }
    %get3A_87 = arith.constant 0 : index
    %get3A_88 = arith.constant 0 : index
    %get3A_89 = memref.load %arg6[%get3A_87, %get3A_88] : memref<1x1xf32, #tpu.memory_space<smem>>
    %add3A_90 = arith.addf %get3A_89, %neg3A_25 : f32
    %swap3A = arith.constant 0 : index
    %swap3A_91 = arith.constant 0 : index
    %swap3A_92 = memref.load %arg6[%swap3A, %swap3A_91] : memref<1x1xf32, #tpu.memory_space<smem>>
    memref.store %add3A_90, %arg6[%swap3A, %swap3A_91] : memref<1x1xf32, #tpu.memory_space<smem>>
    %get3A_93 = arith.constant 0 : index
    %get3A_94 = arith.constant 0 : index
    %get3A_95 = memref.load %arg7[%get3A_93, %get3A_94] : memref<1x1xf32, #tpu.memory_space<smem>>
    %add3A_96 = arith.addf %get3A_95, %reduce_sum3A_31 : f32
    %swap3A_97 = arith.constant 0 : index
    %swap3A_98 = arith.constant 0 : index
    %swap3A_99 = memref.load %arg7[%swap3A_97, %swap3A_98] : memref<1x1xf32, #tpu.memory_space<smem>>
    memref.store %add3A_96, %arg7[%swap3A_97, %swap3A_98] : memref<1x1xf32, #tpu.memory_space<smem>>
    %get3A_100 = arith.constant 0 : index
    %get3A_101 = arith.constant 0 : index
    %get3A_102 = memref.load %arg8[%get3A_100, %get3A_101] : memref<1x1xf32, #tpu.memory_space<smem>>
    %add3A_103 = arith.addf %get3A_102, %reduce_sum3A_73 : f32
    %swap3A_104 = arith.constant 0 : index
    %swap3A_105 = arith.constant 0 : index
    %swap3A_106 = memref.load %arg8[%swap3A_104, %swap3A_105] : memref<1x1xf32, #tpu.memory_space<smem>>
    memref.store %add3A_103, %arg8[%swap3A_104, %swap3A_105] : memref<1x1xf32, #tpu.memory_space<smem>>
    %get3A_107 = arith.constant 0 : index
    %get3A_108 = arith.constant 0 : index
    %get3A_109 = memref.load %arg9[%get3A_107, %get3A_108] : memref<1x1xf32, #tpu.memory_space<smem>>
    %add3A_110 = arith.addf %get3A_109, %reduce_sum3A_78 : f32
    %swap3A_111 = arith.constant 0 : index
    %swap3A_112 = arith.constant 0 : index
    %swap3A_113 = memref.load %arg9[%swap3A_111, %swap3A_112] : memref<1x1xf32, #tpu.memory_space<smem>>
    memref.store %add3A_110, %arg9[%swap3A_111, %swap3A_112] : memref<1x1xf32, #tpu.memory_space<smem>>
    %get3A_114 = arith.constant 0 : index
    %get3A_115 = arith.constant 0 : index
    %get3A_116 = memref.load %arg10[%get3A_114, %get3A_115] : memref<1x1xf32, #tpu.memory_space<smem>>
    %add3A_117 = arith.addf %get3A_116, %reduce_sum3A_83 : f32
    %swap3A_118 = arith.constant 0 : index
    %swap3A_119 = arith.constant 0 : index
    %swap3A_120 = memref.load %arg10[%swap3A_118, %swap3A_119] : memref<1x1xf32, #tpu.memory_space<smem>>
    memref.store %add3A_117, %arg10[%swap3A_118, %swap3A_119] : memref<1x1xf32, #tpu.memory_space<smem>>
    return
  }
  func.func @transform_0(%arg0: i32) -> (i32, i32) {
    %c0_i32 = arith.constant 0 : i32
    %c0_i32_0 = arith.constant 0 : i32
    return %arg0, %c0_i32 : i32, i32
  }
  func.func @transform_1(%arg0: i32) -> (i32, i32) {
    %c0_i32 = arith.constant 0 : i32
    %c0_i32_0 = arith.constant 0 : i32
    return %arg0, %c0_i32 : i32, i32
  }
  func.func @transform_2(%arg0: i32) -> (i32, i32) {
    %add3A = arith.constant 10 : i32
    %add3A_0 = arith.addi %add3A, %arg0 : i32
    %c0_i32 = arith.constant 0 : i32
    %c0_i32_1 = arith.constant 0 : i32
    return %add3A_0, %c0_i32 : i32, i32
  }
  func.func @transform_3(%arg0: i32) -> (i32, i32) {
    %add3A = arith.constant 10 : i32
    %add3A_0 = arith.addi %add3A, %arg0 : i32
    %c0_i32 = arith.constant 0 : i32
    %c0_i32_1 = arith.constant 0 : i32
    return %add3A_0, %c0_i32 : i32, i32
  }
  func.func @transform_4(%arg0: i32) -> (i32, i32) {
    %add3A = arith.constant 10 : i32
    %add3A_0 = arith.addi %add3A, %arg0 : i32
    %c0_i32 = arith.constant 0 : i32
    %c0_i32_1 = arith.constant 0 : i32
    return %add3A_0, %c0_i32 : i32, i32
  }
  func.func @transform_5(%arg0: i32) -> (i32, i32) {
    %c0_i32 = arith.constant 0 : i32
    %c0_i32_0 = arith.constant 0 : i32
    %c0_i32_1 = arith.constant 0 : i32
    return %c0_i32, %c0_i32_0 : i32, i32
  }
  func.func @transform_6(%arg0: i32) -> (i32, i32) {
    %c0_i32 = arith.constant 0 : i32
    %c0_i32_0 = arith.constant 0 : i32
    %c0_i32_1 = arith.constant 0 : i32
    return %c0_i32, %c0_i32_0 : i32, i32
  }
  func.func @transform_7(%arg0: i32) -> (i32, i32) {
    %c0_i32 = arith.constant 0 : i32
    %c0_i32_0 = arith.constant 0 : i32
    %c0_i32_1 = arith.constant 0 : i32
    return %c0_i32, %c0_i32_0 : i32, i32
  }
  func.func @transform_8(%arg0: i32) -> (i32, i32) {
    %c0_i32 = arith.constant 0 : i32
    %c0_i32_0 = arith.constant 0 : i32
    %c0_i32_1 = arith.constant 0 : i32
    return %c0_i32, %c0_i32_0 : i32, i32
  }
  func.func @transform_9(%arg0: i32) -> (i32, i32) {
    %c0_i32 = arith.constant 0 : i32
    %c0_i32_0 = arith.constant 0 : i32
    %c0_i32_1 = arith.constant 0 : i32
    return %c0_i32, %c0_i32_0 : i32, i32
  }
}

</mosaic_0001>

<sc_bundles>
// kernel: kernel.4.cloned.1.call-start
scs
__scs_entry_jumppad:
0x0: {  	(pc) =	sbr.rel $0x88, $3  }
0x1: {  	(tag) =	ssettag $0x0;
	lr =	simm.s32 $0x1  }
0x2: {  	[smem:$0x3F9D] =	sst lr;
	_ =	strace $0xD0000000  }
0x3: {  	_ = 	snop  }
0x4: {  	_ = 	snop  }
0x5: {  	_ = 	snop  }
0x6: {  	_ = 	snop  }
0x7: {  	_ = 	snop  }
__scs_overlays_trampoline_lowered:
0x8: {  	[smem:$0x3FAC] =	sst s0  }
0x9: {  	[smem:$0x3FAD] =	sst s1  }
0xa: {  	[smem:$0x3FAE] =	sst s2  }
0xb: {  	[smem:$0x3FAF] =	sst s3  }
0xc: {  	[smem:$0x3FB0] =	sst s4  }
0xd: {  	[smem:$0x3FB1] =	sst s5  }
0xe: {  	[smem:$0x3FB2] =	sst s6  }
0xf: {  	[smem:$0x3FB3] =	sst s7  }
0x10: {  	[smem:$0x3FB4] =	sst s8  }
0x11: {  	[smem:$0x3FB5] =	sst s9;
	s0 =	simm.s32 @!p0 $0x0  }
0x12: {  	s1 =	sld [smem:$0x3F9B];
	s0 =	simm.s32 @p0 $0x1  }
0x13: {  	[smem:$0x3FB6] =	sst s0;
	s0 =	simm.s32 @!p1 $0x0  }
0x14: {  	s2 =	sld [smem:$0x3F9A];
	s0 =	simm.s32 @p1 $0x1  }
0x15: {  	[smem:$0x3FB7] =	sst s0;
	s0 =	simm.s32 @!p2 $0x0  }
0x16: {  	s3 =	sld [smem:$0x3FDB];
	s0 =	simm.s32 @p2 $0x1  }
0x17: {  	s4 =	simm.s32 $0x1BF5;
	[smem:$0x3FB9] =	sst s0  }
0x18: {  	s0 =	sld [smem:$0x3F9C];
	_ =	swait.ge [sflag:s4], $0x0  }
0x19: {  	s7 =	sld [smem:$0x3F9D]  }
0x1a: {  	s8 =	sadd.s32 $0xFFFFE003, lr  }
0x1b: {  	s9 =	sadd.s32 $0xFFFFFEF7, lr;
	s5 =	simm.s32 $0xFFFFFFFF;
	p2 =	slt.u32 s8, $0xFFFFF086  }
0x1c: {  	p1 =	slt.u32 s9, $0xF7A;
	s5 =	simm.s32 @!p2 $0x0  }
0x1d: {  	s5 =	simm.s32 @p1 $0x1;
	p0 =	seq.s32 s7, s2  }
0x1e: {  	s7 =	smul.u32 @!p0 $0xF7A, s2;
	p2 =	seq.s32 @!p0 s5, $0x0  }
0x1f: {  	s9 =	smul.u32 $0xF7A, s1;
	s8 =	simm.s32 @!p0 $0x1BF5;
	p2 =	por !p2, p0  }
0x20: {  	[sflag:s8] =	ssyncset.s32 @!p0 $0xFFFFF086;
	s6 =	sadd.s32 @!p0 s3, s7;
	s7 =	simm.s32 @!p0 $0x108  }
0x21: {  	s3 =	sadd.s32 s3, s9;
	s6 =	sadd.s32 @!p0 $0x88, s6;
	s7 =	simm.s32 @p2 $0x1082  }
0x22: {  	[simem:s7], [sflag:s8] =	dma.local @!p0 [hbm:s6], $0xF7A  }
0x23: {  	s9 =	sor.u32 $0xD0000000, s2;
	s6 =	simm.s32 $0x108;
	_ =	swait.ge @!p0 [sflag:s8], $0x0  }
0x24: {  	s3 =	sadd.s32 $0x88, s3;
	s6 =	simm.s32 @!p1 $0x1082;
	[sflag:s4] =	ssyncset.s32 $0xFFFFF086  }
0x25: {  	[simem:s6], [sflag:s4] =	dma.local [hbm:s3], $0xF7A  }
0x26: {  	[smem:$0x3F9D] =	sst s1;
	(tag) =	ssettag s2;
	_ =	strace s9  }
0x27: {  	s1 =	sld [smem:$0x3FAD]  }
0x28: {  	s2 =	sld [smem:$0x3FAE]  }
0x29: {  	s4 =	sld [smem:$0x3FB0]  }
0x2a: {  	p0 =	seq.s32 s5, $0x0;
	s5 =	sld [smem:$0x3FB1]  }
0x2b: {  	s6 =	sld [smem:$0x3FB2]  }
0x2c: {  	s7 =	sld [smem:$0x3FB3]  }
0x2d: {  	s3 =	simm.s32 $0x108;
	s8 =	sld [smem:$0x3FB4]  }
0x2e: {  	s3 =	simm.s32 @!p0 $0x1082;
	s9 =	sld [smem:$0x3FB5]  }
0x2f: {  	lr =	sadd.s32 s0, s3;
	s0 =	sld [smem:$0x3FAC]  }
0x30: {  	s3 =	sld [smem:$0x3FAF]  }
0x31: {  	[smem:$0x3FB8] =	sst s10  }
0x32: {  	s10 =	sld [smem:$0x3FB6];
	_ =	sdelay $0x3  }
0x33: {  	p0 =	seq.s32 s10, $0x1;
	s10 =	sld [smem:$0x3FB8];
	_ =	sdelay $0x3  }
0x34: {  	[smem:$0x3FB8] =	sst s10  }
0x35: {  	s10 =	sld [smem:$0x3FB7];
	_ =	sdelay $0x3  }
0x36: {  	p1 =	seq.s32 s10, $0x1;
	s10 =	sld [smem:$0x3FB8];
	_ =	sdelay $0x3  }
0x37: {  	[smem:$0x3FB8] =	sst s10  }
0x38: {  	s10 =	sld [smem:$0x3FB9]  }
0x39: {  	_ = 	snop;
	(pc) =	sbr.ind lr, $3  }
0x3a: {  	_ = 	snop  }
0x3b: {  	_ = 	snop  }
0x3c: {  	p2 =	seq.s32 s10, $0x1;
	s10 =	sld [smem:$0x3FB8]  }
0x3d: {  	_ =	shalt  }
0x3e: {  	_ =	shalt  }
0x3f: {  	_ =	shalt  }
0x40: {  	_ =	shalt  }
0x41: {  	_ =	shalt  }
0x42: {  	_ =	shalt  }
0x43: {  	_ =	shalt  }
0x44: {  	_ =	shalt  }
0x45: {  	_ =	shalt  }
0x46: {  	_ =	shalt  }
0x47: {  	_ =	shalt  }
0x48: {  	_ =	shalt  }
0x49: {  	_ =	shalt  }
0x4a: {  	_ =	shalt  }
0x4b: {  	_ =	shalt  }
0x4c: {  	_ =	shalt  }
0x4d: {  	_ =	shalt  }
0x4e: {  	_ =	shalt  }
0x4f: {  	_ =	shalt  }
0x50: {  	_ =	shalt  }
0x51: {  	_ =	shalt  }
0x52: {  	_ =	shalt  }
0x53: {  	_ =	shalt  }
0x54: {  	_ =	shalt  }
0x55: {  	_ =	shalt  }
0x56: {  	_ =	shalt  }
0x57: {  	_ =	shalt  }
0x58: {  	_ =	shalt  }
0x59: {  	_ =	shalt  }
0x5a: {  	_ =	shalt  }
0x5b: {  	_ =	shalt  }
0x5c: {  	_ =	shalt  }
0x5d: {  	_ =	shalt  }
0x5e: {  	_ =	shalt  }
0x5f: {  	_ =	shalt  }
0x60: {  	_ =	shalt  }
0x61: {  	_ =	shalt  }
0x62: {  	_ =	shalt  }
0x63: {  	_ =	shalt  }
0x64: {  	_ =	shalt  }
0x65: {  	_ =	shalt  }
0x66: {  	_ =	shalt  }
0x67: {  	_ =	shalt  }
0x68: {  	_ =	shalt  }
0x69: {  	_ =	shalt  }
0x6a: {  	_ =	shalt  }
0x6b: {  	_ =	shalt  }
0x6c: {  	_ =	shalt  }
0x6d: {  	_ =	shalt  }
0x6e: {  	_ =	shalt  }
0x6f: {  	_ =	shalt  }
0x70: {  	_ =	shalt  }
0x71: {  	_ =	shalt  }
0x72: {  	_ =	shalt  }
0x73: {  	_ =	shalt  }
0x74: {  	_ =	shalt  }
0x75: {  	_ =	shalt  }
0x76: {  	_ =	shalt  }
0x77: {  	_ =	shalt  }
0x78: {  	_ =	shalt  }
0x79: {  	_ =	shalt  }
0x7a: {  	_ =	shalt  }
0x7b: {  	_ =	shalt  }
0x7c: {  	_ =	shalt  }
0x7d: {  	_ =	shalt  }
0x7e: {  	_ =	shalt  }
0x7f: {  	_ =	shalt  }
0x80: {  	_ =	shalt  }
0x81: {  	_ =	shalt  }
0x82: {  	_ =	shalt  }
0x83: {  	_ =	shalt  }
0x84: {  	_ =	shalt  }
0x85: {  	_ =	shalt  }
0x86: {  	_ =	shalt  }
0x87: {  	_ =	shalt  }
.Lfunc_end0:
.L_simem_size_0:
called_computation_lowered:
.L_overlay_start_0:
0x88: {  	s2 =	sld [smem:$0x3FD9]  }
0x89: {  	s3 =	sld [smem:$0x3FFE];
	_ =	sdelay $0x1  }
0x8a: {  	s1 =	srdreg.scid  }
0x8b: {  	s0 =	sand.u32 $0x1, s1  }
0x8c: {  	s17 =	sshll.u32 s0, $0xA;
	s2 =	sadd.s32 s3, s2  }
0x8d: {  	s2 =	sadd.s32 s2, s17  }
0x8e: {  	[smem:$0x3FC4] =	sst s2  }
0x8f: {  	_ = 	snop  }
0x90: {  	s2 =	sld [smem:$0x3FC9]  }
0x91: {  	s18 =	sld [smem:$0x3FC7]  }
0x92: {  	s4 =	sld [smem:$0x3FC6];
	(tm) =	ssettm $0x1  }
0x93: {  	s5 =	sld [smem:$0x3FFB];
	_ =	sdelay $0x3  }
0x94: {  	_ =	strace s5  }
0x95: {  	s5 =	sld [smem:$0x3FFC];
	_ =	sdelay $0x3  }
0x96: {  	_ =	strace s5  }
0x97: {  	s5 =	sld [smem:$0x3FFD];
	_ =	sdelay $0x3  }
0x98: {  	_ =	strace s5  }
0x99: {  	_ =	strace $0x8FFFFFFF  }
0x9a: {  	s19 =	sld [smem:$0x3FDB];
	_ =	sdelay $0x1  }
0x9b: {  	s6 =	simm.s32 $_scs_section_size  }
0x9c: {  	s7 =	simm.s32 $_size__tile_overlayer_lowered;
	s8 =	simm.s32 $_tile_overlayer_lowered  }
0x9d: {  	s22 =	simm.s32 $0x1BFF;
	s21 =	sshll.u32 s8, $0x1;
	s5 =	sadd.s32 s6, s19  }
0x9e: {  	s9 =	simm.s32 $0x0;
	s20 =	sshll.u32 s7, $0x1;
	s7 =	sadd.s32 s21, s5  }
0x9f: {  	[timem:s9], [sflag:s22] =	dma.local [hbm:s7], s20  }
0xa0: {  	_ =	swait.ge [sflag:s22], s20  }
0xa1: {  	s6 =	ssub.s32 $0x0, s20;
	[sflag:s22] =	ssyncset.done $0x0  }
0xa2: {  	[sflag:s22] =	ssyncadd.s32 s6;
	_ =	sdelay $0x1  }
0xa3: {  	s23 =	simm.s32 $0x1B8B  }
0xa4: {  	_ =	swait.ge [sflag:s23], $0x1  }
0xa5: {  	[sflag:s23] =	ssyncset.done $0x0  }
0xa6: {  	s25 =	simm.s32 $0x1B8E;
	s24 =	sld [smem:$0x3FFE];
	[sflag:s23] =	ssyncadd.s32 $0xFFFFFFFF  }
0xa7: {  	s26 =	simm.s32 $execute0_lowered;
	[smem:$0x3FD2] =	sst s25  }
0xa8: {  	s7 =	sshll.u32 s26, $0x1;
	_ =	strace $0x80000046;
	[dreg:$0x1] =	wrdreg $0xFFFFFFFF  }
0xa9: {  	s28 =	simm.s32 $_size_execute0_lowered;
	s5 =	sadd.s32 s5, s7;
	[dreg:$0x0] =	wrdreg $0x0  }
0xaa: {  	s7 =	sshll.u32 s28, $0x1;
	[dreg:$0x2] =	wrdreg s5  }
0xab: {  	[dreg:$0x3] =	wrdreg s7  }
0xac: {  	[dreg:$0x4] =	wrdreg $0xC0  }
0xad: {  	_ =	task [dreg:s9], $0x5FFFF  }
0xae: {  	[dreg:$0x1] =	wrdreg $0xFFFFFFFF  }
0xaf: {  	[dreg:$0x0] =	wrdreg $0x60  }
0xb0: {  	[dreg:$0x2] =	wrdreg s18  }
0xb1: {  	[dreg:$0x3] =	wrdreg s2  }
0xb2: {  	[dreg:$0x4] =	wrdreg s4  }
0xb3: {  	[dreg:$0x5] =	wrdreg s24  }
0xb4: {  	[dreg:$0x6] =	wrdreg $0x9  }
0xb5: {  	_ =	task.clear_ibuf [dreg:s9], $0x7FFFF;
	_ =	strace $0x90000046  }
0xb6: {  	s29 =	simm.s32 $0x9;
	_ =	strace $0x80000048  }
0xb7: {  	_ =	swait.ge [sflag:s29], $0x1  }
0xb8: {  	[sflag:s29] =	ssyncadd.s32 $0xFFFFFFFF  }
0xb9: {  	_ =	strace $0x90000048  }
0xba: {  	_ =	sfence  }
0xbb: {  	s30 =	sld [smem:$0x0];
	_ =	sdelay $0x2  }
0xbc: {  	s31 =	sshll.u32 s1, $0xD;
	s1 =	sshrl.u32 s1, $0x2  }
0xbd: {  	s3 =	sand.u32 $0x4000, s31;
	s1 =	sadd.s32 s1, s30  }
0xbe: {  	s0 =	sor.u32 s3, s0;
	s1 =	sshll.u32 s1, $0x11  }
0xbf: {  	s0 =	sor.u32 s1, s0  }
0xc0: {  	s0 =	sadd.s32 $0x8F2B, s0  }
0xc1: {  	[sflag:s0] =	ssyncadd.remote.s32 $0x1  }
0xc2: {  	_ =	sfence.sel $0xFFFF  }
0xc3: {  	[dreg:$0x0] =	wrdreg $0xFFFFFFFF;
	(pc) =	sbr.abs _section_cstart, $3  }
0xc4: {  	[dreg:$0x1] =	wrdreg $0xFFFFFFFF  }
0xc5: {  	_ =	task.clear_ibuf [dreg:s9], $0x2FFFF;
	_ =	strace $0x9FFFFFFF  }
0xc6: {  	(tm) =	ssettm $0x7FFFFFFF  }
0xc7: {  	_ =	shalt  }
tec
execute0_lowered:
.L_overlay_start_1:
0x0: {  	(tag) =	ssettag $0x1  }
0x1: {  	s0 =	rddreg [dreg:$0x0]  }
0x2: {  	s1 =	rddreg [dreg:$0x1]  }
0x3: {  	s2 =	srdreg.scid;
	s3 =	rddreg [dreg:$0x2]  }
0x4: {  	s6 =	rddreg [dreg:$0x3];
	s7 =	stileid.u32  }
0x5: {  	s4 =	simm.s32 $0x0;
	s18 =	simm.s32 $0x6400;
	s19 =	simm.s32 $0x2800  }
0x6: {  	s20 =	simm.s32 $0x7800;
	s21 =	simm.s32 $0xC800;
	s2 =	sand.u32 $0x1, s2  }
0x7: {  	s22 =	simm.s32 $0x6;
	s23 =	simm.s32 $0x0;
	s5 =	sshll.u32 s2, $0x4  }
0x8: {  	[smem:$0x7FF] =	sst s4;
	s2 =	ssub.s32 $0x2, s2;
	s7 =	sor.u32 s7, s5  }
0x9: {  	_ =	strace $0x80000047;
	s10 =	sshrl.u32 s2, $0x1;
	s5 =	smul.u32 $0x2800, s7  }
0xa: {  	s9 =	smul.u32 $0x1400, s7;
	s8 =	sshll.u32 s7, $0x6;
	s2 =	ssub.s32 s2, s10  }
0xb: {  	s11 =	smul.u32 $0xA000, s7;
	s13 =	sadd.s32 s8, s6;
	s14 =	smax.u32 s2, $0x1  }
0xc: {  	s6 =	sadd.s32 s0, s9;
	s7 =	sadd.s32 s1, s9;
	s29 =	sshrl.u32 s5, $0x3  }
0xd: {  	s30 =	sshrl.u32 s11, $0x3;
	s31 =	sor.u32 $0x280, s9;
	s13 =	sadd.s32 $0xA00, s13  }
0xe: {  	s8 =	sadd.s32 s3, s29;
	s12 =	sadd.s32 $0x500, s30;
	s9 =	sadd.s32 s0, s31  }
0xf: {  	v0 =	vimm.f32 $0.0e+00;
	s10 =	sadd.s32 s1, s31;
	s11 =	sadd.s32 s0, s12;
	s12 =	sadd.s32 s1, s12  }
.LBB2_1:
0x10: {  	[tilespmem:s4], [sflag:$0x1] =	stream.linear.gather [hbm4b:s6+s4], $0x1400, $0x38;
	[tilespmem:$0xCA00] =	vst v63  }
0x11: {  	s2 =	simm.s32 $0x5000  }
0x12: {  	[tilespmem:s2], [sflag:$0x1] =	stream.linear.gather [hbm4b:s7+s4], $0x1400, $0x38;
	[tilespmem:$0xCA00] =	vst v63  }
0x13: {  	s30 =	simm.s32 $0xA000  }
0x14: {  	[tilespmem:s30], [sflag:$0x5] =	stream.linear.gather [hbm4b:s8+s4], $0x2800, $0x38;
	[tilespmem:$0xCA00] =	vst v63  }
0x15: {  	s31 =	simm.s32 $0x1400  }
0x16: {  	[tilespmem:s31], [sflag:$0x2] =	stream.linear.gather [hbm4b:s9+s4], $0x1400, $0x38;
	[tilespmem:$0xCA00] =	vst v63  }
0x17: {  	_ = 	snop  }
0x18: {  	[tilespmem:s18], [sflag:$0x2] =	stream.linear.gather [hbm4b:s10+s4], $0x1400, $0x38;
	[tilespmem:$0xCA00] =	vst v63  }
0x19: {  	_ = 	snop  }
0x1a: {  	[tilespmem:s19], [sflag:$0x3] =	stream.linear.gather [hbm4b:s11+s4], $0x1400, $0x38;
	[tilespmem:$0xCA00] =	vst v63  }
0x1b: {  	s24 =	simm.s32 $0x0;
	s25 =	simm.s32 $0x0  }
0x1c: {  	v1 =	vimm.f32 $0.0e+00;
	v2 =	vimm.f32 $0.0e+00;
	v6 =	vimm.f32 $0.0e+00;
	[tilespmem:s20], [sflag:$0x3] =	stream.linear.gather [hbm4b:s12+s4], $0x1400, $0x38;
	[tilespmem:$0xCA00] =	vst v63  }
.LBB2_2:
0x1d: {  	p0 =	sgt.u32 s25, $0x4  }
0x1e: {  	s2 =	sadd.s32 @!p0 $0x3, s25  }
0x1f: {  	s3 =	smul.u32 @!p0 $0x500, s2;
	_ =	sdelay $0x1  }
0x20: {  	s2 =	sand.u32 @!p0 $0x3, s2;
	s3 =	sadd.s32 @!p0 s5, s3  }
0x21: {  	s26 =	smul.u32 @!p0 $0x1400, s2;
	s3 =	sshrl.u32 @!p0 s3, $0x1  }
0x22: {  	s29 =	simm.s32 @!p0 $0x0;
	s2 =	sadd.s32 @!p0 $0x1, s2;
	s28 =	sadd.s32 @!p0 s0, s3  }
0x23: {  	[tilespmem:s26], [sflag:s2] =	stream.linear.gather @!p0 [hbm4b:s28+s29], $0x1400, $0x38;
	[tilespmem:$0xCA00] =	vst v63  }
0x24: {  	p1 =	sne.s32 @!p0 s25, $0x0;
	s3 =	sadd.s32 @!p0 s1, s3;
	s26 =	sadd.s32 @!p0 $0x5000, s26  }
0x25: {  	[tilespmem:s26], [sflag:s2] =	stream.linear.gather @!p0 [hbm4b:s3+s29], $0x1400, $0x38;
	[tilespmem:$0xCA00] =	vst v63  }
0x26: {  	p0 =	por p1, p0  }
0x27: {  	s2 =	simm.s32 @!p0 $0x5  }
0x28: {  	_ =	swait.ge @!p0 [sflag:s2], $0x2800  }
0x29: {  	s26 =	sand.u32 $0x3, s25;
	[sflag:s2] =	ssyncset.done @!p0 $0x0  }
0x2a: {  	s31 =	sadd.s32 $0x1, s26;
	[sflag:s2] =	ssyncadd.s32 @!p0 $0xFFFFD800  }
0x2b: {  	_ =	swait.ge [sflag:s31], $0x1400  }
0x2c: {  	[sflag:s31] =	ssyncset.done $0x0  }
0x2d: {  	s15 =	simm.s32 $0x0;
	s26 =	smul.u32 $0x1400, s26;
	[sflag:s31] =	ssyncadd.s32 $0xFFFFEC00  }
0x2e: {  	s28 =	sand.u32 $0x60, s15;
	s3 =	sand.u32 $0x1E00, s15;
	_ =	swait.ge [sflag:s31], $0x1400  }
0x2f: {  	s29 =	sor.u32 $0x10, s28;
	s3 =	sadd.s32 s26, s3;
	[sflag:s31] =	ssyncset.done $0x0  }
0x30: {  	s16 =	sor.u32 s29, s3;
	[sflag:s31] =	ssyncadd.s32 $0xFFFFEC00  }
0x31: {  	v5 =	vld [tilespmem:s16+$0x5180]  }
0x32: {  	v7 =	vld [tilespmem:s16+$0x5100]  }
0x33: {  	v8 =	vld [tilespmem:s16+$0x5080]  }
0x34: {  	v9 =	vld [tilespmem:s16+$0x0]  }
0x35: {  	s3 =	sor.u32 s28, s3;
	v10 =	vld [tilespmem:s16+$0x5000]  }
0x36: {  	v11 =	vld [tilespmem:s3+$0x5180]  }
0x37: {  	s30 =	sadd.s32 $0x0, s24;
	v12 =	vld [tilespmem:s3+$0x5100]  }
0x38: {  	s30 =	sand.u32 $0x7F80, s30;
	v13 =	vld [tilespmem:s3+$0x5080]  }
0x39: {  	s30 =	sadd.s32 $0xA000, s30;
	v14 =	vld [tilespmem:s3+$0x0]  }
0x3a: {  	s29 =	sor.u32 s29, s30;
	v15 =	vld [tilespmem:s3+$0x5000]  }
0x3b: {  	s31 =	sor.u32 $0x100, s16;
	v3 =	vld [tilespmem:s29+$0x0]  }
0x3c: {  	s2 =	sor.u32 $0x80, s16;
	v17 =	vld [tilespmem:s31+$0x0]  }
0x3d: {  	s28 =	sor.u32 s28, s30;
	v18 =	vld [tilespmem:s2+$0x0]  }
0x3e: {  	s17 =	sor.u32 $0x180, s3;
	v4 =	vld [tilespmem:s28+$0x0]  }
0x3f: {  	s29 =	sor.u32 $0x180, s16;
	v19 =	vld [tilespmem:s17+$0x0]  }
0x40: {  	s28 =	sor.u32 $0x100, s3;
	v16 =	vld [tilespmem:s29+$0x0]  }
0x41: {  	s31 =	sor.u32 $0x80, s3;
	v20 =	vld [tilespmem:s28+$0x0]  }
0x42: {  	v21 =	vld [tilespmem:s31+$0x0];
	_ =	sdelay $0x1  }
0x43: {  	vm0 =	vlt.f32 v4, $-1.000000000e+00;
	v14 =	vsub.f32 v14, v15;
	v9 =	vsub.f32 v9, v10  }
0x44: {  	vm1 =	vgt.f32 v3, $0.0e+00;
	v15 =	vsub.f32 v17, v7;
	v17 =	vsub.f32 v19, v11  }
0x45: {  	vm2 =	vgt.f32 v4, $0.0e+00;
	v8 =	vsub.f32 v18, v8;
	v16 =	vsub.f32 v16, v5  }
0x46: {  	v19 =	vsub.f32 v21, v13;
	v20 =	vsub.f32 v20, v12;
	v5 =	vsel vm1, $0x3F800000, v0  }
0x47: {  	v7 =	vsel vm2, $0x3F800000, v0;
	v14 =	vand.u32 $0x7FFFFFFF, v14;
	v11 =	vand.u32 $0x7FFFFFFF, v9  }
0x48: {  	v10 =	vand.u32 $0x7FFFFFFF, v8;
	v9 =	vand.u32 $0x7FFFFFFF, v15;
	v13 =	vand.u32 $0x7FFFFFFF, v17  }
0x49: {  	v8 =	vand.u32 $0x7FFFFFFF, v16;
	v16 =	vmin.f32 v14, $1.000000000e+00;
	v12 =	vmin.f32 v11, $1.000000000e+00  }
0x4a: {  	s30 =	simm.s32 $0x20;
	s28 =	simm.s32 $0x0;
	s29 =	simm.s32 $0x80;
	v17 =	vand.u32 $0x7FFFFFFF, v19;
	v15 =	vand.u32 $0x7FFFFFFF, v20;
	v18 =	vmul.f32 $5.000000000e-01, v16  }
.LBB2_3:
0x4b: {  	s31 =	sand.u32 $0x60, s30;
	s2 =	sand.u32 $0x1E00, s29;
	v19 =	vmin.f32 v17, $1.000000000e+00;
	v20 =	vmin.f32 v9, $1.000000000e+00;
	v21 =	vmin.f32 v8, $1.000000000e+00  }
0x4c: {  	v14 =	vsub.f32 v14, v16;
	s2 =	sadd.s32 s26, s2;
	s15 =	sor.u32 $0x10, s31;
	v18 =	vmul.f32 v18, v16;
	v16 =	vmul.f32 $5.000000000e-01, v19  }
0x4d: {  	v22 =	vmin.f32 v15, $1.000000000e+00;
	v23 =	vmin.f32 v13, $1.000000000e+00;
	v17 =	vsub.f32 v17, v19;
	s3 =	sor.u32 s15, s2  }
0x4e: {  	v24 =	vld [tilespmem:s3+$0x5180];
	v14 =	vadd.f32 v18, v14;
	v16 =	vmul.f32 v16, v19;
	v18 =	vmul.f32 $5.000000000e-01, v22  }
0x4f: {  	v26 =	vmin.f32 v10, $1.000000000e+00;
	v15 =	vsub.f32 v15, v22;
	v25 =	vmul.f32 $5.000000000e-01, v23;
	v19 =	vld [tilespmem:s3+$0x5100]  }
0x50: {  	v27 =	vld [tilespmem:s3+$0x5080];
	v14 =	vmul.f32 v14, v7;
	v16 =	vadd.f32 v16, v17;
	v17 =	vmul.f32 v18, v22  }
0x51: {  	v13 =	vsub.f32 v13, v23;
	v22 =	vmul.f32 v25, v23;
	v23 =	vmul.f32 $5.000000000e-01, v12;
	v18 =	vld [tilespmem:s3+$0x0]  }
0x52: {  	s2 =	sor.u32 s31, s2;
	v25 =	vld [tilespmem:s3+$0x5000];
	v6 =	vadd.f32 v14, v6;
	v14 =	vmul.f32 v16, v7;
	v15 =	vadd.f32 v17, v15  }
0x53: {  	v11 =	vsub.f32 v11, v12;
	v17 =	vmul.f32 v23, v12;
	v12 =	vmul.f32 $5.000000000e-01, v26;
	v16 =	vld [tilespmem:s2+$0x5180]  }
0x54: {  	s16 =	sadd.s32 s30, s24;
	v13 =	vadd.f32 v22, v13;
	v23 =	vld [tilespmem:s2+$0x5100];
	v6 =	vadd.f32 v14, v6;
	v14 =	vmul.f32 v15, v7  }
0x55: {  	s16 =	sand.u32 $0x7F80, s16;
	v10 =	vsub.f32 v10, v26;
	v22 =	vmul.f32 $5.000000000e-01, v20;
	v12 =	vmul.f32 v12, v26;
	v15 =	vld [tilespmem:s2+$0x5080]  }
0x56: {  	s16 =	sadd.s32 $0xA000, s16;
	v13 =	vmul.f32 v13, v7;
	v11 =	vadd.f32 v17, v11;
	v26 =	vld [tilespmem:s2+$0x0];
	v6 =	vadd.f32 v14, v6  }
0x57: {  	v9 =	vsub.f32 v9, v20;
	s15 =	sor.u32 s15, s16;
	v17 =	vmul.f32 v22, v20;
	v20 =	vmul.f32 $5.000000000e-01, v21;
	v14 =	vld [tilespmem:s2+$0x5000]  }
0x58: {  	v11 =	vmul.f32 v11, v5;
	v10 =	vadd.f32 v12, v10;
	v22 =	vld [tilespmem:s15+$0x0];
	s15 =	sor.u32 $0x180, s3;
	v6 =	vadd.f32 v13, v6  }
0x59: {  	vm1 =	vgt.f32 v4, $-1.000000000e+00;
	v8 =	vsub.f32 v8, v21;
	s17 =	sor.u32 $0x100, s3;
	v13 =	vmul.f32 v20, v21;
	v12 =	vld [tilespmem:s15+$0x0]  }
0x5a: {  	v9 =	vadd.f32 v17, v9;
	s3 =	sor.u32 $0x80, s3;
	v10 =	vmul.f32 v10, v5;
	v20 =	vld [tilespmem:s17+$0x0];
	v6 =	vadd.f32 v11, v6  }
0x5b: {  	vm2 =	vgt.f32 v3, $-1.000000000e+00;
	vm0 =	vmor vm1, vm0;
	vm1 =	vlt.f32 v3, $-1.000000000e+00;
	s15 =	sor.u32 s31, s16;
	v11 =	vld [tilespmem:s3+$0x0]  }
0x5c: {  	s28 =	sadd.s32 $0x2, s28;
	v9 =	vmul.f32 v9, v5;
	v8 =	vadd.f32 v13, v8;
	s3 =	sor.u32 $0x180, s2;
	v4 =	vld [tilespmem:s15+$0x0];
	v6 =	vadd.f32 v10, v6  }
0x5d: {  	v2 =	vadd.f32 v7, v2;
	p0 =	slt.u32 s28, $0x4E;
	v7 =	vsel vm0, $0x3F800000, v0;
	vm0 =	vmor vm2, vm1;
	s15 =	sor.u32 $0x100, s2;
	v10 =	vld [tilespmem:s3+$0x0];
	v3 =	vmovc v22  }
0x5e: {  	v1 =	vadd.f32 v7, v1;
	s2 =	sor.u32 $0x80, s2;
	v7 =	vmul.f32 v8, v5;
	v13 =	vld [tilespmem:s15+$0x0];
	v6 =	vadd.f32 v9, v6  }
0x5f: {  	v2 =	vadd.f32 v5, v2;
	v5 =	vsel vm0, $0x3F800000, v0;
	v8 =	vld [tilespmem:s2+$0x0]  }
0x60: {  	v1 =	vadd.f32 v5, v1;
	v6 =	vadd.f32 v7, v6  }
0x61: {  	v17 =	vsub.f32 v18, v25;
	v9 =	vsub.f32 v26, v14;
	vm0 =	vlt.f32 v4, $-1.000000000e+00  }
0x62: {  	vm1 =	vgt.f32 v3, $0.0e+00;
	v12 =	vsub.f32 v12, v24;
	v18 =	vsub.f32 v20, v19  }
0x63: {  	vm2 =	vgt.f32 v4, $0.0e+00;
	v19 =	vsub.f32 v10, v16;
	v10 =	vsub.f32 v11, v27  }
.Ltmp0:
0x64: {  	v5 =	vsel vm1, $0x3F800000, v0;
	v20 =	vsub.f32 v13, v23;
	v15 =	vsub.f32 v8, v15;
	(pc) =	sbr.rel @p0 .LBB2_3-.Ltmp0, $4  }
0x65: {  	v14 =	vand.u32 $0x7FFFFFFF, v9;
	v7 =	vsel vm2, $0x3F800000, v0;
	v11 =	vand.u32 $0x7FFFFFFF, v17  }
0x66: {  	v9 =	vand.u32 $0x7FFFFFFF, v18;
	v10 =	vand.u32 $0x7FFFFFFF, v10;
	v8 =	vand.u32 $0x7FFFFFFF, v12  }
0x67: {  	v16 =	vmin.f32 v14, $1.000000000e+00;
	v13 =	vand.u32 $0x7FFFFFFF, v19;
	v12 =	vmin.f32 v11, $1.000000000e+00  }
0x68: {  	s29 =	sadd.s32 $0x80, s29;
	s30 =	sadd.s32 $0x20, s30;
	v18 =	vmul.f32 $5.000000000e-01, v16;
	v17 =	vand.u32 $0x7FFFFFFF, v15;
	v15 =	vand.u32 $0x7FFFFFFF, v20  }
0x69: {  	v19 =	vmin.f32 v17, $1.000000000e+00;
	v20 =	vmin.f32 v9, $1.000000000e+00;
	v21 =	vmin.f32 v8, $1.000000000e+00  }
0x6a: {  	v14 =	vsub.f32 v14, v16;
	v18 =	vmul.f32 v18, v16;
	v51 =	vmul.f32 $5.000000000e-01, v19  }
0x6b: {  	v22 =	vmin.f32 v15, $1.000000000e+00;
	v23 =	vmin.f32 v13, $1.000000000e+00;
	v17 =	vsub.f32 v17, v19  }
0x6c: {  	v52 =	vmul.f32 $5.000000000e-01, v22;
	v14 =	vadd.f32 v18, v14;
	v16 =	vmul.f32 v51, v19  }
0x6d: {  	v24 =	vmin.f32 v10, $1.000000000e+00;
	v15 =	vsub.f32 v15, v22;
	v53 =	vmul.f32 $5.000000000e-01, v23  }
0x6e: {  	v54 =	vmul.f32 v52, v22;
	v14 =	vmul.f32 v14, v7;
	v16 =	vadd.f32 v16, v17  }
0x6f: {  	v56 =	vmul.f32 $5.000000000e-01, v12;
	v13 =	vsub.f32 v13, v23;
	v55 =	vmul.f32 v53, v23  }
0x70: {  	v15 =	vadd.f32 v54, v15;
	v6 =	vadd.f32 v14, v6;
	v57 =	vmul.f32 v16, v7  }
0x71: {  	v11 =	vsub.f32 v11, v12;
	v59 =	vmul.f32 $5.000000000e-01, v24;
	v58 =	vmul.f32 v56, v12  }
0x72: {  	v13 =	vadd.f32 v55, v13;
	v60 =	vmul.f32 v15, v7;
	v6 =	vadd.f32 v57, v6  }
0x73: {  	v10 =	vsub.f32 v10, v24;
	v61 =	vmul.f32 $5.000000000e-01, v20;
	v12 =	vmul.f32 v59, v24  }
0x74: {  	v11 =	vadd.f32 v58, v11;
	v13 =	vmul.f32 v13, v7;
	v6 =	vadd.f32 v60, v6  }
0x75: {  	v9 =	vsub.f32 v9, v20;
	v63 =	vmul.f32 $5.000000000e-01, v21;
	v62 =	vmul.f32 v61, v20  }
0x76: {  	v10 =	vadd.f32 v12, v10;
	v11 =	vmul.f32 v11, v5;
	v6 =	vadd.f32 v13, v6  }
0x77: {  	vm1 =	vgt.f32 v4, $-1.000000000e+00;
	v8 =	vsub.f32 v8, v21;
	v4 =	vmul.f32 v63, v21  }
0x78: {  	s25 =	sadd.s32 $0x1, s25;
	v9 =	vadd.f32 v62, v9;
	v10 =	vmul.f32 v10, v5;
	v6 =	vadd.f32 v11, v6  }
0x79: {  	vm14 =	vlt.f32 v3, $-1.000000000e+00;
	vm2 =	vgt.f32 v3, $-1.000000000e+00;
	vm0 =	vmor vm1, vm0;
	p0 =	sne.s32 s25, $0x8  }
.Ltmp1:
0x7a: {  	v4 =	vadd.f32 v4, v8;
	v3 =	vadd.f32 v10, v6;
	v6 =	vmul.f32 v9, v5;
	(pc) =	sbr.rel @p0 .LBB2_2-.Ltmp1, $4  }
0x7b: {  	v2 =	vadd.f32 v7, v2;
	vm15 =	vmor vm2, vm14;
	v7 =	vsel vm0, $0x3F800000, v0  }
0x7c: {  	v4 =	vmul.f32 v4, v5;
	v1 =	vadd.f32 v7, v1;
	v3 =	vadd.f32 v6, v3  }
0x7d: {  	v2 =	vadd.f32 v5, v2;
	v5 =	vsel vm15, $0x3F800000, v0  }
0x7e: {  	s24 =	sadd.s32 $0x500, s24;
	v1 =	vadd.f32 v5, v1;
	v6 =	vadd.f32 v4, v3  }
0x7f: {  	[tilespmem:$0xC880] =	vst v2;
	s23 =	sadd.s32 $0x1, s23  }
0x80: {  	[tilespmem:$0xC800] =	vst v6;
	p0 =	sne.s32 s23, s14  }
.Ltmp2:
0x81: {  	[tilespmem:$0xC900] =	vst v1;
	(pc) =	sbr.rel @p0 .LBB2_1-.Ltmp2, $4  }
0x82: {  	[hbm4b:s13+s4] =	stream.linear.scatter [tilespmem:s21], [sflag:$0x6], $0x180, $0x38;
	[tilespmem:$0xCA00] =	vst v63  }
0x83: {  	_ =	swait.ge [sflag:s22], $0x180  }
0x84: {  	[sflag:s22] =	ssyncset.done $0x0  }
0x85: {  	[sflag:s22] =	ssyncadd.s32 $0xFFFFFE80  }
0x86: {  	_ =	sfence.sel $0x180000  }
0x87: {  	[bflag:$0x0] =	sbarrier.arrive $0xFFFF  }
0x88: {  	_ =	strace $0x90000047  }
0x89: {  	s0 =	stileid.u32;
	[bflag:$0x2] =	sbarrier.arrive $0xFFFF  }
0x8a: {  	p0 =	sne.s32 s0, $0x0;
	s0 =	rddreg [dreg:$0x4]  }
0x8b: {  	s0 =	sadd.s32 @!p0 $0x100000, s0  }
0x8c: {  	[sflag:s0] =	ssyncadd.tile.s32 @!p0 $0x1;
	_ =	shalt  }
.Lfunc_end2:
_tile_overlayer_lowered:
.L_overlay_start_2:
0x8d: {  	(tag) =	ssettag $0x2  }
0x8e: {  	s0 =	rddreg [dreg:$0x0];
	s2 =	stileid.u32  }
0x8f: {  	s1 =	rddreg [dreg:$0x1];
	p0 =	sne.s32 s2, $0x0  }
0x90: {  	s3 =	rddreg [dreg:$0x2];
	[bflag:$0x3] =	sbarrier.arrive $0xFFFF;
	s2 =	simm.s32 @!p0 $0x1C06  }
0x91: {  	[timem:s3], [sflag:s2] =	dma.local @!p0 [hbm:s0], s1  }
0x92: {  	s0 =	simm.s32 @!p0 $0x6  }
0x93: {  	_ =	swait.ge @!p0 [sflag:s0], s1  }
0x94: {  	s1 =	ssub.s32 @!p0 $0x0, s1;
	[sflag:s0] =	ssyncset.done @!p0 $0x0  }
0x95: {  	[sflag:s0] =	ssyncadd.s32 @!p0 s1  }
0x96: {  	[bflag:$0x3] =	sbarrier.arrive $0xFFFF  }
0x97: {  	_ =	shalt  }

</sc_bundles>
